<compile_context>
chip_gen: v7x
topology: tpu7x:2x2x1
jax: 0.10.2.dev20260603
libtpu: 0.0.44.dev20260713+nightly
codegen_flags: <defaults>
</compile_context>

<pallas_src>
import functools

import jax
import jax.numpy as jnp
from jax import lax
from jax.experimental import pallas as pl
from jax.experimental.pallas import tpu as pltpu
from jax.experimental.pallas import tpu_sc as plsc

HIDDEN = 128
NC = 2
NS = 16
NW = NC * NS
G = 128
NBUF = 5


@functools.lru_cache(maxsize=None)
def _make_lookup(n_rows: int, hidden: int):
    rows_per_w = n_rows // NW
    ng = rows_per_w // G
    n_outer = ng // NBUF
    mesh = plsc.VectorSubcoreMesh(
        core_axis_name="c", subcore_axis_name="s", num_cores=NC, num_subcores=NS
    )

    @functools.partial(
        pl.kernel,
        mesh=mesh,
        out_type=jax.ShapeDtypeStruct((n_rows, hidden), jnp.float32),
        scratch_types=[
            pltpu.VMEM((ng, G), jnp.int32),
            pltpu.VMEM((NBUF, G, hidden), jnp.float32),
            [pltpu.SemaphoreType.DMA] * NBUF,
        ],
    )
    def lookup(ids_hbm, table_hbm, out_hbm, idx_v, rows_v, sems):
        wid = lax.axis_index("s") * NC + lax.axis_index("c")
        base = wid * rows_per_w
        pltpu.sync_copy(ids_hbm.at[wid], idx_v)

        def gather(g, b):
            pltpu.async_copy(table_hbm.at[idx_v.at[g]], rows_v.at[b], sems[b])

        def gather_wait(b):
            pltpu.make_async_copy(
                table_hbm.at[idx_v.at[0]], rows_v.at[b], sems[b]
            ).wait()

        def scatter(g, b):
            pltpu.sync_copy(rows_v.at[b], out_hbm.at[pl.ds(base + g * G, G)])

        for b in range(NBUF):
            gather(b, b)

        def outer(go, carry):
            g0 = go * NBUF
            for b in range(NBUF):
                gather_wait(b)
                scatter(g0 + b, b)
                gather(g0 + b + NBUF, b)
            return carry

        lax.fori_loop(0, n_outer - 1, outer, 0)

        g0 = (n_outer - 1) * NBUF
        for b in range(NBUF):
            gather_wait(b)
            scatter(g0 + b, b)

    return lookup


def kernel(input_ids, embed_table):
    b, l = input_ids.shape
    n = b * l
    ids = input_ids.astype(jnp.int32).reshape(NW, n // (NW * G), G)
    out = _make_lookup(n, embed_table.shape[1])(ids, embed_table)
    return out.reshape(b, l, HIDDEN)

# --- scband reference (transcript-rebuilt; emitter-appended) ---
"""Pipeline reference for scband-embed-tokens-21294447854025 (READ-ONLY COPY).

The authoritative reference and input builder live on the scoring server;
editing this copy changes nothing except your own understanding.
"""

import jax, jax.numpy as jnp
import numpy as np

VOCAB = 100000
HIDDEN = 128
B = 4096
L = 200

def setup_inputs(seed: int = 0) -> dict:
    key = jax.random.key(seed)
    k_ids, k_tbl = jax.random.split(key)
    input_ids = jax.random.randint(k_ids, (B, L), 0, VOCAB, dtype=jnp.int64 if jax.config.jax_enable_x64 else jnp.int32)
    embed_table = jax.random.normal(k_tbl, (VOCAB, HIDDEN), dtype=jnp.float32) * 0.02
    return {"input_ids": input_ids, "embed_table": embed_table}

def reference(input_ids, embed_table):
    # nn.Embedding forward: gather rows of the table by token id
    return jnp.take(embed_table, input_ids, axis=0)

if __name__ == "__main__":
    import jax
    _d = setup_inputs()
    print(jax.jit(kernel)(*tuple(_d.values())))

</pallas_src>

<mosaic_0001>
#map = affine_map<(d0, d1) -> (0, 0, 0)>
#map1 = affine_map<(d0, d1) -> (0, 0)>
module attributes {stable_mosaic.version = 14 : i64} {
  func.func @lookup(%arg0: i32, %arg1: i32, %arg2: memref<32x200x128xi32, #tpu.memory_space<hbm>>, %arg3: memref<100000x128xf32, #tpu.memory_space<hbm>>, %arg4: memref<819200x128xf32, #tpu.memory_space<hbm>>, %arg5: memref<200x128xi32, #tpu.memory_space<vmem>>, %arg6: memref<5x128x128xf32, #tpu.memory_space<vmem>>, %arg7: memref<!tpu.dma_semaphore, #tpu.memory_space<semaphore_mem>>, %arg8: memref<!tpu.dma_semaphore, #tpu.memory_space<semaphore_mem>>, %arg9: memref<!tpu.dma_semaphore, #tpu.memory_space<semaphore_mem>>, %arg10: memref<!tpu.dma_semaphore, #tpu.memory_space<semaphore_mem>>, %arg11: memref<!tpu.dma_semaphore, #tpu.memory_space<semaphore_mem>>) attributes {dimension_semantics = [#tpu.dimension_semantics<core_parallel>, #tpu.dimension_semantics<subcore_parallel>], iteration_bounds = array<i64: 2, 16>, scalar_prefetch = 0 : i64, scratch_operands = 7 : i64, tpu.core_type = #tpu.core_type<sc_vector_subcore>, window_params = [{transform_indices = #map}, {transform_indices = #map1}, {transform_indices = #map1}]} {
    %mul3A = arith.constant 2 : i32
    %mul3A_0 = arith.muli %arg1, %mul3A : i32
    %add3A = arith.addi %mul3A_0, %arg0 : i32
    %mul3A_1 = arith.constant 25600 : i32
    %mul3A_2 = arith.muli %add3A, %mul3A_1 : i32
    "tpu.region"() ({
      %run_scoped3A_140 = tpu.sem_alloc : memref<!tpu.dma_semaphore, #tpu.memory_space<semaphore_mem>>
      %dma_start3A_141 = arith.constant 0 : i32
      %dma_start3A_142 = arith.constant 0 : i32
      %dma_start3A_143 = tpu.memref_slice %arg2[%add3A, %dma_start3A_141, %dma_start3A_142] : memref<32x200x128xi32, #tpu.memory_space<hbm>> -> memref<1x200x128xi32, #tpu.memory_space<hbm>>
      %dma_start3A_144 = tpu.memref_squeeze %dma_start3A_143 : memref<1x200x128xi32, #tpu.memory_space<hbm>> -> memref<200x128xi32, #tpu.memory_space<hbm>>
      %dma_start3A_145 = arith.constant 0 : i32
      %dma_start3A_146 = arith.constant 0 : i32
      %dma_start3A_147 = tpu.memref_slice %arg2[%add3A, %dma_start3A_145, %dma_start3A_146] : memref<32x200x128xi32, #tpu.memory_space<hbm>> -> memref<1x200x128xi32, #tpu.memory_space<hbm>>
      %dma_start3A_148 = tpu.memref_squeeze %dma_start3A_147 : memref<1x200x128xi32, #tpu.memory_space<hbm>> -> memref<200x128xi32, #tpu.memory_space<hbm>>
      tpu.enqueue_dma source(%dma_start3A_148 : memref<200x128xi32, #tpu.memory_space<hbm>>) target(%arg5 : memref<200x128xi32, #tpu.memory_space<vmem>>) target_semaphore(%run_scoped3A_140 : memref<!tpu.dma_semaphore, #tpu.memory_space<semaphore_mem>>)
      %dma_wait3A_149 = arith.constant 0 : i32
      %dma_wait3A_150 = arith.constant 0 : i32
      %dma_wait3A_151 = tpu.memref_slice %arg2[%add3A, %dma_wait3A_149, %dma_wait3A_150] : memref<32x200x128xi32, #tpu.memory_space<hbm>> -> memref<1x200x128xi32, #tpu.memory_space<hbm>>
      %dma_wait3A_152 = tpu.memref_squeeze %dma_wait3A_151 : memref<1x200x128xi32, #tpu.memory_space<hbm>> -> memref<200x128xi32, #tpu.memory_space<hbm>>
      %dma_wait3A_153 = arith.constant 0 : i32
      %dma_wait3A_154 = arith.constant 0 : i32
      %dma_wait3A_155 = tpu.memref_slice %arg2[%add3A, %dma_wait3A_153, %dma_wait3A_154] : memref<32x200x128xi32, #tpu.memory_space<hbm>> -> memref<1x200x128xi32, #tpu.memory_space<hbm>>
      %dma_wait3A_156 = tpu.memref_squeeze %dma_wait3A_155 : memref<1x200x128xi32, #tpu.memory_space<hbm>> -> memref<200x128xi32, #tpu.memory_space<hbm>>
      tpu.wait_dma2 semaphore(%run_scoped3A_140 : memref<!tpu.dma_semaphore, #tpu.memory_space<semaphore_mem>>) src(%dma_wait3A_156 : memref<200x128xi32, #tpu.memory_space<hbm>>) dst(%arg5 : memref<200x128xi32, #tpu.memory_space<vmem>>)
      tpu.yield
    }) : () -> ()
    %dma_start3A = arith.constant 0 : i32
    %dma_start3A_3 = arith.constant 0 : i32
    %dma_start3A_4 = arith.constant 0 : i32
    %dma_start3A_5 = arith.constant 0 : i32
    %dma_start3A_6 = tpu.memref_slice %arg6[%dma_start3A_3, %dma_start3A_4, %dma_start3A_5] : memref<5x128x128xf32, #tpu.memory_space<vmem>> -> memref<1x128x128xf32, #tpu.memory_space<vmem>>
    %dma_start3A_7 = tpu.memref_squeeze %dma_start3A_6 : memref<1x128x128xf32, #tpu.memory_space<vmem>> -> memref<128x128xf32, #tpu.memory_space<vmem>>
    %dma_start3A_8 = arith.constant 0 : i32
    %dma_start3A_9 = tpu.memref_slice %arg5[%dma_start3A, %dma_start3A_8] : memref<200x128xi32, #tpu.memory_space<vmem>> -> memref<1x128xi32, #tpu.memory_space<vmem>>
    %dma_start3A_10 = tpu.memref_squeeze %dma_start3A_9 : memref<1x128xi32, #tpu.memory_space<vmem>> -> memref<128xi32, #tpu.memory_space<vmem>>
    %dma_start3A_11 = arith.constant 0 : i32
    %dma_start3A_12 = arith.constant 0 : i32
    %dma_start3A_13 = tpu.memref_slice %arg3[%dma_start3A_11, %dma_start3A_12] : memref<100000x128xf32, #tpu.memory_space<hbm>> -> memref<100000x128xf32, #tpu.memory_space<hbm>>
    tpu.enqueue_indirect_dma source(%dma_start3A_13 : memref<100000x128xf32, #tpu.memory_space<hbm>>) target(%dma_start3A_7 : memref<128x128xf32, #tpu.memory_space<vmem>>) offsets(%dma_start3A_10 : memref<128xi32, #tpu.memory_space<vmem>>) semaphore(%arg7 : memref<!tpu.dma_semaphore, #tpu.memory_space<semaphore_mem>>)
    %dma_start3A_14 = arith.constant 1 : i32
    %dma_start3A_15 = arith.constant 1 : i32
    %dma_start3A_16 = arith.constant 0 : i32
    %dma_start3A_17 = arith.constant 0 : i32
    %dma_start3A_18 = tpu.memref_slice %arg6[%dma_start3A_15, %dma_start3A_16, %dma_start3A_17] : memref<5x128x128xf32, #tpu.memory_space<vmem>> -> memref<1x128x128xf32, #tpu.memory_space<vmem>>
    %dma_start3A_19 = tpu.memref_squeeze %dma_start3A_18 : memref<1x128x128xf32, #tpu.memory_space<vmem>> -> memref<128x128xf32, #tpu.memory_space<vmem>>
    %dma_start3A_20 = arith.constant 0 : i32
    %dma_start3A_21 = tpu.memref_slice %arg5[%dma_start3A_14, %dma_start3A_20] : memref<200x128xi32, #tpu.memory_space<vmem>> -> memref<1x128xi32, #tpu.memory_space<vmem>>
    %dma_start3A_22 = tpu.memref_squeeze %dma_start3A_21 : memref<1x128xi32, #tpu.memory_space<vmem>> -> memref<128xi32, #tpu.memory_space<vmem>>
    %dma_start3A_23 = arith.constant 0 : i32
    %dma_start3A_24 = arith.constant 0 : i32
    %dma_start3A_25 = tpu.memref_slice %arg3[%dma_start3A_23, %dma_start3A_24] : memref<100000x128xf32, #tpu.memory_space<hbm>> -> memref<100000x128xf32, #tpu.memory_space<hbm>>
    tpu.enqueue_indirect_dma source(%dma_start3A_25 : memref<100000x128xf32, #tpu.memory_space<hbm>>) target(%dma_start3A_19 : memref<128x128xf32, #tpu.memory_space<vmem>>) offsets(%dma_start3A_22 : memref<128xi32, #tpu.memory_space<vmem>>) semaphore(%arg8 : memref<!tpu.dma_semaphore, #tpu.memory_space<semaphore_mem>>)
    %dma_start3A_26 = arith.constant 2 : i32
    %dma_start3A_27 = arith.constant 2 : i32
    %dma_start3A_28 = arith.constant 0 : i32
    %dma_start3A_29 = arith.constant 0 : i32
    %dma_start3A_30 = tpu.memref_slice %arg6[%dma_start3A_27, %dma_start3A_28, %dma_start3A_29] : memref<5x128x128xf32, #tpu.memory_space<vmem>> -> memref<1x128x128xf32, #tpu.memory_space<vmem>>
    %dma_start3A_31 = tpu.memref_squeeze %dma_start3A_30 : memref<1x128x128xf32, #tpu.memory_space<vmem>> -> memref<128x128xf32, #tpu.memory_space<vmem>>
    %dma_start3A_32 = arith.constant 0 : i32
    %dma_start3A_33 = tpu.memref_slice %arg5[%dma_start3A_26, %dma_start3A_32] : memref<200x128xi32, #tpu.memory_space<vmem>> -> memref<1x128xi32, #tpu.memory_space<vmem>>
    %dma_start3A_34 = tpu.memref_squeeze %dma_start3A_33 : memref<1x128xi32, #tpu.memory_space<vmem>> -> memref<128xi32, #tpu.memory_space<vmem>>
    %dma_start3A_35 = arith.constant 0 : i32
    %dma_start3A_36 = arith.constant 0 : i32
    %dma_start3A_37 = tpu.memref_slice %arg3[%dma_start3A_35, %dma_start3A_36] : memref<100000x128xf32, #tpu.memory_space<hbm>> -> memref<100000x128xf32, #tpu.memory_space<hbm>>
    tpu.enqueue_indirect_dma source(%dma_start3A_37 : memref<100000x128xf32, #tpu.memory_space<hbm>>) target(%dma_start3A_31 : memref<128x128xf32, #tpu.memory_space<vmem>>) offsets(%dma_start3A_34 : memref<128xi32, #tpu.memory_space<vmem>>) semaphore(%arg9 : memref<!tpu.dma_semaphore, #tpu.memory_space<semaphore_mem>>)
    %dma_start3A_38 = arith.constant 3 : i32
    %dma_start3A_39 = arith.constant 3 : i32
    %dma_start3A_40 = arith.constant 0 : i32
    %dma_start3A_41 = arith.constant 0 : i32
    %dma_start3A_42 = tpu.memref_slice %arg6[%dma_start3A_39, %dma_start3A_40, %dma_start3A_41] : memref<5x128x128xf32, #tpu.memory_space<vmem>> -> memref<1x128x128xf32, #tpu.memory_space<vmem>>
    %dma_start3A_43 = tpu.memref_squeeze %dma_start3A_42 : memref<1x128x128xf32, #tpu.memory_space<vmem>> -> memref<128x128xf32, #tpu.memory_space<vmem>>
    %dma_start3A_44 = arith.constant 0 : i32
    %dma_start3A_45 = tpu.memref_slice %arg5[%dma_start3A_38, %dma_start3A_44] : memref<200x128xi32, #tpu.memory_space<vmem>> -> memref<1x128xi32, #tpu.memory_space<vmem>>
    %dma_start3A_46 = tpu.memref_squeeze %dma_start3A_45 : memref<1x128xi32, #tpu.memory_space<vmem>> -> memref<128xi32, #tpu.memory_space<vmem>>
    %dma_start3A_47 = arith.constant 0 : i32
    %dma_start3A_48 = arith.constant 0 : i32
    %dma_start3A_49 = tpu.memref_slice %arg3[%dma_start3A_47, %dma_start3A_48] : memref<100000x128xf32, #tpu.memory_space<hbm>> -> memref<100000x128xf32, #tpu.memory_space<hbm>>
    tpu.enqueue_indirect_dma source(%dma_start3A_49 : memref<100000x128xf32, #tpu.memory_space<hbm>>) target(%dma_start3A_43 : memref<128x128xf32, #tpu.memory_space<vmem>>) offsets(%dma_start3A_46 : memref<128xi32, #tpu.memory_space<vmem>>) semaphore(%arg10 : memref<!tpu.dma_semaphore, #tpu.memory_space<semaphore_mem>>)
    %dma_start3A_50 = arith.constant 4 : i32
    %dma_start3A_51 = arith.constant 4 : i32
    %dma_start3A_52 = arith.constant 0 : i32
    %dma_start3A_53 = arith.constant 0 : i32
    %dma_start3A_54 = tpu.memref_slice %arg6[%dma_start3A_51, %dma_start3A_52, %dma_start3A_53] : memref<5x128x128xf32, #tpu.memory_space<vmem>> -> memref<1x128x128xf32, #tpu.memory_space<vmem>>
    %dma_start3A_55 = tpu.memref_squeeze %dma_start3A_54 : memref<1x128x128xf32, #tpu.memory_space<vmem>> -> memref<128x128xf32, #tpu.memory_space<vmem>>
    %dma_start3A_56 = arith.constant 0 : i32
    %dma_start3A_57 = tpu.memref_slice %arg5[%dma_start3A_50, %dma_start3A_56] : memref<200x128xi32, #tpu.memory_space<vmem>> -> memref<1x128xi32, #tpu.memory_space<vmem>>
    %dma_start3A_58 = tpu.memref_squeeze %dma_start3A_57 : memref<1x128xi32, #tpu.memory_space<vmem>> -> memref<128xi32, #tpu.memory_space<vmem>>
    %dma_start3A_59 = arith.constant 0 : i32
    %dma_start3A_60 = arith.constant 0 : i32
    %dma_start3A_61 = tpu.memref_slice %arg3[%dma_start3A_59, %dma_start3A_60] : memref<100000x128xf32, #tpu.memory_space<hbm>> -> memref<100000x128xf32, #tpu.memory_space<hbm>>
    tpu.enqueue_indirect_dma source(%dma_start3A_61 : memref<100000x128xf32, #tpu.memory_space<hbm>>) target(%dma_start3A_55 : memref<128x128xf32, #tpu.memory_space<vmem>>) offsets(%dma_start3A_58 : memref<128xi32, #tpu.memory_space<vmem>>) semaphore(%arg11 : memref<!tpu.dma_semaphore, #tpu.memory_space<semaphore_mem>>)
    %scan3A = arith.constant 0 : i32
    %scan3A_62 = arith.constant 0 : i32
    %scan3A_63 = arith.constant 39 : i32
    %scan3A_64 = arith.addi %scan3A_62, %scan3A_63 : i32
    %scan3A_65 = arith.constant 1 : i32
    scf.for %scan3A_140 = %scan3A_62 to %scan3A_64 step %scan3A_65  : i32 {
      %mul3A_141 = arith.constant 5 : i32
      %mul3A_142 = arith.muli %scan3A_140, %mul3A_141 : i32
      %dma_wait3A_143 = arith.constant 0 : i32
      %dma_wait3A_144 = arith.constant 0 : i32
      %dma_wait3A_145 = arith.constant 0 : i32
      %dma_wait3A_146 = arith.constant 0 : i32
      %dma_wait3A_147 = tpu.memref_slice %arg6[%dma_wait3A_144, %dma_wait3A_145, %dma_wait3A_146] : memref<5x128x128xf32, #tpu.memory_space<vmem>> -> memref<1x128x128xf32, #tpu.memory_space<vmem>>
      %dma_wait3A_148 = tpu.memref_squeeze %dma_wait3A_147 : memref<1x128x128xf32, #tpu.memory_space<vmem>> -> memref<128x128xf32, #tpu.memory_space<vmem>>
      %dma_wait3A_149 = arith.constant 0 : i32
      %dma_wait3A_150 = tpu.memref_slice %arg5[%dma_wait3A_143, %dma_wait3A_149] : memref<200x128xi32, #tpu.memory_space<vmem>> -> memref<1x128xi32, #tpu.memory_space<vmem>>
      %dma_wait3A_151 = tpu.memref_squeeze %dma_wait3A_150 : memref<1x128xi32, #tpu.memory_space<vmem>> -> memref<128xi32, #tpu.memory_space<vmem>>
      %dma_wait3A_152 = arith.constant 0 : i32
      %dma_wait3A_153 = arith.constant 0 : i32
      %dma_wait3A_154 = tpu.memref_slice %arg3[%dma_wait3A_152, %dma_wait3A_153] : memref<100000x128xf32, #tpu.memory_space<hbm>> -> memref<100000x128xf32, #tpu.memory_space<hbm>>
      tpu.wait_indirect_dma semaphore(%arg7 : memref<!tpu.dma_semaphore, #tpu.memory_space<semaphore_mem>>) src(%dma_wait3A_154 : memref<100000x128xf32, #tpu.memory_space<hbm>>) dst(%dma_wait3A_148 : memref<128x128xf32, #tpu.memory_space<vmem>>)
      %add3A_155 = arith.constant 0 : i32
      %add3A_156 = arith.addi %mul3A_142, %add3A_155 : i32
      %mul3A_157 = arith.constant 128 : i32
      %mul3A_158 = arith.muli %add3A_156, %mul3A_157 : i32
      %add3A_159 = arith.addi %mul3A_2, %mul3A_158 : i32
      %run_scoped3A_160 = arith.constant 0 : i32
      "tpu.region"() ({
        %run_scoped3A_308 = tpu.sem_alloc : memref<!tpu.dma_semaphore, #tpu.memory_space<semaphore_mem>>
        %dma_start3A_309 = arith.constant 0 : i32
        %dma_start3A_310 = arith.constant 0 : i32
        %dma_start3A_311 = tpu.memref_slice %arg6[%run_scoped3A_160, %dma_start3A_309, %dma_start3A_310] : memref<5x128x128xf32, #tpu.memory_space<vmem>> -> memref<1x128x128xf32, #tpu.memory_space<vmem>>
        %dma_start3A_312 = tpu.memref_squeeze %dma_start3A_311 : memref<1x128x128xf32, #tpu.memory_space<vmem>> -> memref<128x128xf32, #tpu.memory_space<vmem>>
        %dma_start3A_313 = arith.constant 0 : i32
        %dma_start3A_314 = tpu.memref_slice %arg4[%add3A_159, %dma_start3A_313] : memref<819200x128xf32, #tpu.memory_space<hbm>> -> memref<128x128xf32, #tpu.memory_space<hbm>>
        %dma_start3A_315 = arith.constant 0 : i32
        %dma_start3A_316 = tpu.memref_slice %arg4[%add3A_159, %dma_start3A_315] : memref<819200x128xf32, #tpu.memory_space<hbm>> -> memref<128x128xf32, #tpu.memory_space<hbm>>
        %dma_start3A_317 = arith.constant 0 : i32
        %dma_start3A_318 = arith.constant 0 : i32
        %dma_start3A_319 = tpu.memref_slice %arg6[%run_scoped3A_160, %dma_start3A_317, %dma_start3A_318] : memref<5x128x128xf32, #tpu.memory_space<vmem>> -> memref<1x128x128xf32, #tpu.memory_space<vmem>>
        %dma_start3A_320 = tpu.memref_squeeze %dma_start3A_319 : memref<1x128x128xf32, #tpu.memory_space<vmem>> -> memref<128x128xf32, #tpu.memory_space<vmem>>
        tpu.enqueue_dma source(%dma_start3A_320 : memref<128x128xf32, #tpu.memory_space<vmem>>) target(%dma_start3A_316 : memref<128x128xf32, #tpu.memory_space<hbm>>) target_semaphore(%run_scoped3A_308 : memref<!tpu.dma_semaphore, #tpu.memory_space<semaphore_mem>>)
        %dma_wait3A_321 = arith.constant 0 : i32
        %dma_wait3A_322 = arith.constant 0 : i32
        %dma_wait3A_323 = tpu.memref_slice %arg6[%run_scoped3A_160, %dma_wait3A_321, %dma_wait3A_322] : memref<5x128x128xf32, #tpu.memory_space<vmem>> -> memref<1x128x128xf32, #tpu.memory_space<vmem>>
        %dma_wait3A_324 = tpu.memref_squeeze %dma_wait3A_323 : memref<1x128x128xf32, #tpu.memory_space<vmem>> -> memref<128x128xf32, #tpu.memory_space<vmem>>
        %dma_wait3A_325 = arith.constant 0 : i32
        %dma_wait3A_326 = tpu.memref_slice %arg4[%add3A_159, %dma_wait3A_325] : memref<819200x128xf32, #tpu.memory_space<hbm>> -> memref<128x128xf32, #tpu.memory_space<hbm>>
        %dma_wait3A_327 = arith.constant 0 : i32
        %dma_wait3A_328 = tpu.memref_slice %arg4[%add3A_159, %dma_wait3A_327] : memref<819200x128xf32, #tpu.memory_space<hbm>> -> memref<128x128xf32, #tpu.memory_space<hbm>>
        %dma_wait3A_329 = arith.constant 0 : i32
        %dma_wait3A_330 = arith.constant 0 : i32
        %dma_wait3A_331 = tpu.memref_slice %arg6[%run_scoped3A_160, %dma_wait3A_329, %dma_wait3A_330] : memref<5x128x128xf32, #tpu.memory_space<vmem>> -> memref<1x128x128xf32, #tpu.memory_space<vmem>>
        %dma_wait3A_332 = tpu.memref_squeeze %dma_wait3A_331 : memref<1x128x128xf32, #tpu.memory_space<vmem>> -> memref<128x128xf32, #tpu.memory_space<vmem>>
        tpu.wait_dma2 semaphore(%run_scoped3A_308 : memref<!tpu.dma_semaphore, #tpu.memory_space<semaphore_mem>>) src(%dma_wait3A_332 : memref<128x128xf32, #tpu.memory_space<vmem>>) dst(%dma_wait3A_328 : memref<128x128xf32, #tpu.memory_space<hbm>>)
        tpu.yield
      }) : () -> ()
      %add3A_161 = arith.constant 0 : i32
      %add3A_162 = arith.addi %mul3A_142, %add3A_161 : i32
      %add3A_163 = arith.constant 5 : i32
      %add3A_164 = arith.addi %add3A_162, %add3A_163 : i32
      %dma_start3A_165 = arith.constant 0 : i32
      %dma_start3A_166 = arith.constant 0 : i32
      %dma_start3A_167 = arith.constant 0 : i32
      %dma_start3A_168 = tpu.memref_slice %arg6[%dma_start3A_165, %dma_start3A_166, %dma_start3A_167] : memref<5x128x128xf32, #tpu.memory_space<vmem>> -> memref<1x128x128xf32, #tpu.memory_space<vmem>>
      %dma_start3A_169 = tpu.memref_squeeze %dma_start3A_168 : memref<1x128x128xf32, #tpu.memory_space<vmem>> -> memref<128x128xf32, #tpu.memory_space<vmem>>
      %dma_start3A_170 = arith.constant 0 : i32
      %dma_start3A_171 = tpu.memref_slice %arg5[%add3A_164, %dma_start3A_170] : memref<200x128xi32, #tpu.memory_space<vmem>> -> memref<1x128xi32, #tpu.memory_space<vmem>>
      %dma_start3A_172 = tpu.memref_squeeze %dma_start3A_171 : memref<1x128xi32, #tpu.memory_space<vmem>> -> memref<128xi32, #tpu.memory_space<vmem>>
      %dma_start3A_173 = arith.constant 0 : i32
      %dma_start3A_174 = arith.constant 0 : i32
      %dma_start3A_175 = tpu.memref_slice %arg3[%dma_start3A_173, %dma_start3A_174] : memref<100000x128xf32, #tpu.memory_space<hbm>> -> memref<100000x128xf32, #tpu.memory_space<hbm>>
      tpu.enqueue_indirect_dma source(%dma_start3A_175 : memref<100000x128xf32, #tpu.memory_space<hbm>>) target(%dma_start3A_169 : memref<128x128xf32, #tpu.memory_space<vmem>>) offsets(%dma_start3A_172 : memref<128xi32, #tpu.memory_space<vmem>>) semaphore(%arg7 : memref<!tpu.dma_semaphore, #tpu.memory_space<semaphore_mem>>)
      %dma_wait3A_176 = arith.constant 0 : i32
      %dma_wait3A_177 = arith.constant 1 : i32
      %dma_wait3A_178 = arith.constant 0 : i32
      %dma_wait3A_179 = arith.constant 0 : i32
      %dma_wait3A_180 = tpu.memref_slice %arg6[%dma_wait3A_177, %dma_wait3A_178, %dma_wait3A_179] : memref<5x128x128xf32, #tpu.memory_space<vmem>> -> memref<1x128x128xf32, #tpu.memory_space<vmem>>
      %dma_wait3A_181 = tpu.memref_squeeze %dma_wait3A_180 : memref<1x128x128xf32, #tpu.memory_space<vmem>> -> memref<128x128xf32, #tpu.memory_space<vmem>>
      %dma_wait3A_182 = arith.constant 0 : i32
      %dma_wait3A_183 = tpu.memref_slice %arg5[%dma_wait3A_176, %dma_wait3A_182] : memref<200x128xi32, #tpu.memory_space<vmem>> -> memref<1x128xi32, #tpu.memory_space<vmem>>
      %dma_wait3A_184 = tpu.memref_squeeze %dma_wait3A_183 : memref<1x128xi32, #tpu.memory_space<vmem>> -> memref<128xi32, #tpu.memory_space<vmem>>
      %dma_wait3A_185 = arith.constant 0 : i32
      %dma_wait3A_186 = arith.constant 0 : i32
      %dma_wait3A_187 = tpu.memref_slice %arg3[%dma_wait3A_185, %dma_wait3A_186] : memref<100000x128xf32, #tpu.memory_space<hbm>> -> memref<100000x128xf32, #tpu.memory_space<hbm>>
      tpu.wait_indirect_dma semaphore(%arg8 : memref<!tpu.dma_semaphore, #tpu.memory_space<semaphore_mem>>) src(%dma_wait3A_187 : memref<100000x128xf32, #tpu.memory_space<hbm>>) dst(%dma_wait3A_181 : memref<128x128xf32, #tpu.memory_space<vmem>>)
      %add3A_188 = arith.constant 1 : i32
      %add3A_189 = arith.addi %mul3A_142, %add3A_188 : i32
      %mul3A_190 = arith.constant 128 : i32
      %mul3A_191 = arith.muli %add3A_189, %mul3A_190 : i32
      %add3A_192 = arith.addi %mul3A_2, %mul3A_191 : i32
      %run_scoped3A_193 = arith.constant 1 : i32
      "tpu.region"() ({
        %run_scoped3A_308 = tpu.sem_alloc : memref<!tpu.dma_semaphore, #tpu.memory_space<semaphore_mem>>
        %dma_start3A_309 = arith.constant 0 : i32
        %dma_start3A_310 = arith.constant 0 : i32
        %dma_start3A_311 = tpu.memref_slice %arg6[%run_scoped3A_193, %dma_start3A_309, %dma_start3A_310] : memref<5x128x128xf32, #tpu.memory_space<vmem>> -> memref<1x128x128xf32, #tpu.memory_space<vmem>>
        %dma_start3A_312 = tpu.memref_squeeze %dma_start3A_311 : memref<1x128x128xf32, #tpu.memory_space<vmem>> -> memref<128x128xf32, #tpu.memory_space<vmem>>
        %dma_start3A_313 = arith.constant 0 : i32
        %dma_start3A_314 = tpu.memref_slice %arg4[%add3A_192, %dma_start3A_313] : memref<819200x128xf32, #tpu.memory_space<hbm>> -> memref<128x128xf32, #tpu.memory_space<hbm>>
        %dma_start3A_315 = arith.constant 0 : i32
        %dma_start3A_316 = tpu.memref_slice %arg4[%add3A_192, %dma_start3A_315] : memref<819200x128xf32, #tpu.memory_space<hbm>> -> memref<128x128xf32, #tpu.memory_space<hbm>>
        %dma_start3A_317 = arith.constant 0 : i32
        %dma_start3A_318 = arith.constant 0 : i32
        %dma_start3A_319 = tpu.memref_slice %arg6[%run_scoped3A_193, %dma_start3A_317, %dma_start3A_318] : memref<5x128x128xf32, #tpu.memory_space<vmem>> -> memref<1x128x128xf32, #tpu.memory_space<vmem>>
        %dma_start3A_320 = tpu.memref_squeeze %dma_start3A_319 : memref<1x128x128xf32, #tpu.memory_space<vmem>> -> memref<128x128xf32, #tpu.memory_space<vmem>>
        tpu.enqueue_dma source(%dma_start3A_320 : memref<128x128xf32, #tpu.memory_space<vmem>>) target(%dma_start3A_316 : memref<128x128xf32, #tpu.memory_space<hbm>>) target_semaphore(%run_scoped3A_308 : memref<!tpu.dma_semaphore, #tpu.memory_space<semaphore_mem>>)
        %dma_wait3A_321 = arith.constant 0 : i32
        %dma_wait3A_322 = arith.constant 0 : i32
        %dma_wait3A_323 = tpu.memref_slice %arg6[%run_scoped3A_193, %dma_wait3A_321, %dma_wait3A_322] : memref<5x128x128xf32, #tpu.memory_space<vmem>> -> memref<1x128x128xf32, #tpu.memory_space<vmem>>
        %dma_wait3A_324 = tpu.memref_squeeze %dma_wait3A_323 : memref<1x128x128xf32, #tpu.memory_space<vmem>> -> memref<128x128xf32, #tpu.memory_space<vmem>>
        %dma_wait3A_325 = arith.constant 0 : i32
        %dma_wait3A_326 = tpu.memref_slice %arg4[%add3A_192, %dma_wait3A_325] : memref<819200x128xf32, #tpu.memory_space<hbm>> -> memref<128x128xf32, #tpu.memory_space<hbm>>
        %dma_wait3A_327 = arith.constant 0 : i32
        %dma_wait3A_328 = tpu.memref_slice %arg4[%add3A_192, %dma_wait3A_327] : memref<819200x128xf32, #tpu.memory_space<hbm>> -> memref<128x128xf32, #tpu.memory_space<hbm>>
        %dma_wait3A_329 = arith.constant 0 : i32
        %dma_wait3A_330 = arith.constant 0 : i32
        %dma_wait3A_331 = tpu.memref_slice %arg6[%run_scoped3A_193, %dma_wait3A_329, %dma_wait3A_330] : memref<5x128x128xf32, #tpu.memory_space<vmem>> -> memref<1x128x128xf32, #tpu.memory_space<vmem>>
        %dma_wait3A_332 = tpu.memref_squeeze %dma_wait3A_331 : memref<1x128x128xf32, #tpu.memory_space<vmem>> -> memref<128x128xf32, #tpu.memory_space<vmem>>
        tpu.wait_dma2 semaphore(%run_scoped3A_308 : memref<!tpu.dma_semaphore, #tpu.memory_space<semaphore_mem>>) src(%dma_wait3A_332 : memref<128x128xf32, #tpu.memory_space<vmem>>) dst(%dma_wait3A_328 : memref<128x128xf32, #tpu.memory_space<hbm>>)
        tpu.yield
      }) : () -> ()
      %add3A_194 = arith.constant 1 : i32
      %add3A_195 = arith.addi %mul3A_142, %add3A_194 : i32
      %add3A_196 = arith.constant 5 : i32
      %add3A_197 = arith.addi %add3A_195, %add3A_196 : i32
      %dma_start3A_198 = arith.constant 1 : i32
      %dma_start3A_199 = arith.constant 0 : i32
      %dma_start3A_200 = arith.constant 0 : i32
      %dma_start3A_201 = tpu.memref_slice %arg6[%dma_start3A_198, %dma_start3A_199, %dma_start3A_200] : memref<5x128x128xf32, #tpu.memory_space<vmem>> -> memref<1x128x128xf32, #tpu.memory_space<vmem>>
      %dma_start3A_202 = tpu.memref_squeeze %dma_start3A_201 : memref<1x128x128xf32, #tpu.memory_space<vmem>> -> memref<128x128xf32, #tpu.memory_space<vmem>>
      %dma_start3A_203 = arith.constant 0 : i32
      %dma_start3A_204 = tpu.memref_slice %arg5[%add3A_197, %dma_start3A_203] : memref<200x128xi32, #tpu.memory_space<vmem>> -> memref<1x128xi32, #tpu.memory_space<vmem>>
      %dma_start3A_205 = tpu.memref_squeeze %dma_start3A_204 : memref<1x128xi32, #tpu.memory_space<vmem>> -> memref<128xi32, #tpu.memory_space<vmem>>
      %dma_start3A_206 = arith.constant 0 : i32
      %dma_start3A_207 = arith.constant 0 : i32
      %dma_start3A_208 = tpu.memref_slice %arg3[%dma_start3A_206, %dma_start3A_207] : memref<100000x128xf32, #tpu.memory_space<hbm>> -> memref<100000x128xf32, #tpu.memory_space<hbm>>
      tpu.enqueue_indirect_dma source(%dma_start3A_208 : memref<100000x128xf32, #tpu.memory_space<hbm>>) target(%dma_start3A_202 : memref<128x128xf32, #tpu.memory_space<vmem>>) offsets(%dma_start3A_205 : memref<128xi32, #tpu.memory_space<vmem>>) semaphore(%arg8 : memref<!tpu.dma_semaphore, #tpu.memory_space<semaphore_mem>>)
      %dma_wait3A_209 = arith.constant 0 : i32
      %dma_wait3A_210 = arith.constant 2 : i32
      %dma_wait3A_211 = arith.constant 0 : i32
      %dma_wait3A_212 = arith.constant 0 : i32
      %dma_wait3A_213 = tpu.memref_slice %arg6[%dma_wait3A_210, %dma_wait3A_211, %dma_wait3A_212] : memref<5x128x128xf32, #tpu.memory_space<vmem>> -> memref<1x128x128xf32, #tpu.memory_space<vmem>>
      %dma_wait3A_214 = tpu.memref_squeeze %dma_wait3A_213 : memref<1x128x128xf32, #tpu.memory_space<vmem>> -> memref<128x128xf32, #tpu.memory_space<vmem>>
      %dma_wait3A_215 = arith.constant 0 : i32
      %dma_wait3A_216 = tpu.memref_slice %arg5[%dma_wait3A_209, %dma_wait3A_215] : memref<200x128xi32, #tpu.memory_space<vmem>> -> memref<1x128xi32, #tpu.memory_space<vmem>>
      %dma_wait3A_217 = tpu.memref_squeeze %dma_wait3A_216 : memref<1x128xi32, #tpu.memory_space<vmem>> -> memref<128xi32, #tpu.memory_space<vmem>>
      %dma_wait3A_218 = arith.constant 0 : i32
      %dma_wait3A_219 = arith.constant 0 : i32
      %dma_wait3A_220 = tpu.memref_slice %arg3[%dma_wait3A_218, %dma_wait3A_219] : memref<100000x128xf32, #tpu.memory_space<hbm>> -> memref<100000x128xf32, #tpu.memory_space<hbm>>
      tpu.wait_indirect_dma semaphore(%arg9 : memref<!tpu.dma_semaphore, #tpu.memory_space<semaphore_mem>>) src(%dma_wait3A_220 : memref<100000x128xf32, #tpu.memory_space<hbm>>) dst(%dma_wait3A_214 : memref<128x128xf32, #tpu.memory_space<vmem>>)
      %add3A_221 = arith.constant 2 : i32
      %add3A_222 = arith.addi %mul3A_142, %add3A_221 : i32
      %mul3A_223 = arith.constant 128 : i32
      %mul3A_224 = arith.muli %add3A_222, %mul3A_223 : i32
      %add3A_225 = arith.addi %mul3A_2, %mul3A_224 : i32
      %run_scoped3A_226 = arith.constant 2 : i32
      "tpu.region"() ({
        %run_scoped3A_308 = tpu.sem_alloc : memref<!tpu.dma_semaphore, #tpu.memory_space<semaphore_mem>>
        %dma_start3A_309 = arith.constant 0 : i32
        %dma_start3A_310 = arith.constant 0 : i32
        %dma_start3A_311 = tpu.memref_slice %arg6[%run_scoped3A_226, %dma_start3A_309, %dma_start3A_310] : memref<5x128x128xf32, #tpu.memory_space<vmem>> -> memref<1x128x128xf32, #tpu.memory_space<vmem>>
        %dma_start3A_312 = tpu.memref_squeeze %dma_start3A_311 : memref<1x128x128xf32, #tpu.memory_space<vmem>> -> memref<128x128xf32, #tpu.memory_space<vmem>>
        %dma_start3A_313 = arith.constant 0 : i32
        %dma_start3A_314 = tpu.memref_slice %arg4[%add3A_225, %dma_start3A_313] : memref<819200x128xf32, #tpu.memory_space<hbm>> -> memref<128x128xf32, #tpu.memory_space<hbm>>
        %dma_start3A_315 = arith.constant 0 : i32
        %dma_start3A_316 = tpu.memref_slice %arg4[%add3A_225, %dma_start3A_315] : memref<819200x128xf32, #tpu.memory_space<hbm>> -> memref<128x128xf32, #tpu.memory_space<hbm>>
        %dma_start3A_317 = arith.constant 0 : i32
        %dma_start3A_318 = arith.constant 0 : i32
        %dma_start3A_319 = tpu.memref_slice %arg6[%run_scoped3A_226, %dma_start3A_317, %dma_start3A_318] : memref<5x128x128xf32, #tpu.memory_space<vmem>> -> memref<1x128x128xf32, #tpu.memory_space<vmem>>
        %dma_start3A_320 = tpu.memref_squeeze %dma_start3A_319 : memref<1x128x128xf32, #tpu.memory_space<vmem>> -> memref<128x128xf32, #tpu.memory_space<vmem>>
        tpu.enqueue_dma source(%dma_start3A_320 : memref<128x128xf32, #tpu.memory_space<vmem>>) target(%dma_start3A_316 : memref<128x128xf32, #tpu.memory_space<hbm>>) target_semaphore(%run_scoped3A_308 : memref<!tpu.dma_semaphore, #tpu.memory_space<semaphore_mem>>)
        %dma_wait3A_321 = arith.constant 0 : i32
        %dma_wait3A_322 = arith.constant 0 : i32
        %dma_wait3A_323 = tpu.memref_slice %arg6[%run_scoped3A_226, %dma_wait3A_321, %dma_wait3A_322] : memref<5x128x128xf32, #tpu.memory_space<vmem>> -> memref<1x128x128xf32, #tpu.memory_space<vmem>>
        %dma_wait3A_324 = tpu.memref_squeeze %dma_wait3A_323 : memref<1x128x128xf32, #tpu.memory_space<vmem>> -> memref<128x128xf32, #tpu.memory_space<vmem>>
        %dma_wait3A_325 = arith.constant 0 : i32
        %dma_wait3A_326 = tpu.memref_slice %arg4[%add3A_225, %dma_wait3A_325] : memref<819200x128xf32, #tpu.memory_space<hbm>> -> memref<128x128xf32, #tpu.memory_space<hbm>>
        %dma_wait3A_327 = arith.constant 0 : i32
        %dma_wait3A_328 = tpu.memref_slice %arg4[%add3A_225, %dma_wait3A_327] : memref<819200x128xf32, #tpu.memory_space<hbm>> -> memref<128x128xf32, #tpu.memory_space<hbm>>
        %dma_wait3A_329 = arith.constant 0 : i32
        %dma_wait3A_330 = arith.constant 0 : i32
        %dma_wait3A_331 = tpu.memref_slice %arg6[%run_scoped3A_226, %dma_wait3A_329, %dma_wait3A_330] : memref<5x128x128xf32, #tpu.memory_space<vmem>> -> memref<1x128x128xf32, #tpu.memory_space<vmem>>
        %dma_wait3A_332 = tpu.memref_squeeze %dma_wait3A_331 : memref<1x128x128xf32, #tpu.memory_space<vmem>> -> memref<128x128xf32, #tpu.memory_space<vmem>>
        tpu.wait_dma2 semaphore(%run_scoped3A_308 : memref<!tpu.dma_semaphore, #tpu.memory_space<semaphore_mem>>) src(%dma_wait3A_332 : memref<128x128xf32, #tpu.memory_space<vmem>>) dst(%dma_wait3A_328 : memref<128x128xf32, #tpu.memory_space<hbm>>)
        tpu.yield
      }) : () -> ()
      %add3A_227 = arith.constant 2 : i32
      %add3A_228 = arith.addi %mul3A_142, %add3A_227 : i32
      %add3A_229 = arith.constant 5 : i32
      %add3A_230 = arith.addi %add3A_228, %add3A_229 : i32
      %dma_start3A_231 = arith.constant 2 : i32
      %dma_start3A_232 = arith.constant 0 : i32
      %dma_start3A_233 = arith.constant 0 : i32
      %dma_start3A_234 = tpu.memref_slice %arg6[%dma_start3A_231, %dma_start3A_232, %dma_start3A_233] : memref<5x128x128xf32, #tpu.memory_space<vmem>> -> memref<1x128x128xf32, #tpu.memory_space<vmem>>
      %dma_start3A_235 = tpu.memref_squeeze %dma_start3A_234 : memref<1x128x128xf32, #tpu.memory_space<vmem>> -> memref<128x128xf32, #tpu.memory_space<vmem>>
      %dma_start3A_236 = arith.constant 0 : i32
      %dma_start3A_237 = tpu.memref_slice %arg5[%add3A_230, %dma_start3A_236] : memref<200x128xi32, #tpu.memory_space<vmem>> -> memref<1x128xi32, #tpu.memory_space<vmem>>
      %dma_start3A_238 = tpu.memref_squeeze %dma_start3A_237 : memref<1x128xi32, #tpu.memory_space<vmem>> -> memref<128xi32, #tpu.memory_space<vmem>>
      %dma_start3A_239 = arith.constant 0 : i32
      %dma_start3A_240 = arith.constant 0 : i32
      %dma_start3A_241 = tpu.memref_slice %arg3[%dma_start3A_239, %dma_start3A_240] : memref<100000x128xf32, #tpu.memory_space<hbm>> -> memref<100000x128xf32, #tpu.memory_space<hbm>>
      tpu.enqueue_indirect_dma source(%dma_start3A_241 : memref<100000x128xf32, #tpu.memory_space<hbm>>) target(%dma_start3A_235 : memref<128x128xf32, #tpu.memory_space<vmem>>) offsets(%dma_start3A_238 : memref<128xi32, #tpu.memory_space<vmem>>) semaphore(%arg9 : memref<!tpu.dma_semaphore, #tpu.memory_space<semaphore_mem>>)
      %dma_wait3A_242 = arith.constant 0 : i32
      %dma_wait3A_243 = arith.constant 3 : i32
      %dma_wait3A_244 = arith.constant 0 : i32
      %dma_wait3A_245 = arith.constant 0 : i32
      %dma_wait3A_246 = tpu.memref_slice %arg6[%dma_wait3A_243, %dma_wait3A_244, %dma_wait3A_245] : memref<5x128x128xf32, #tpu.memory_space<vmem>> -> memref<1x128x128xf32, #tpu.memory_space<vmem>>
      %dma_wait3A_247 = tpu.memref_squeeze %dma_wait3A_246 : memref<1x128x128xf32, #tpu.memory_space<vmem>> -> memref<128x128xf32, #tpu.memory_space<vmem>>
      %dma_wait3A_248 = arith.constant 0 : i32
      %dma_wait3A_249 = tpu.memref_slice %arg5[%dma_wait3A_242, %dma_wait3A_248] : memref<200x128xi32, #tpu.memory_space<vmem>> -> memref<1x128xi32, #tpu.memory_space<vmem>>
      %dma_wait3A_250 = tpu.memref_squeeze %dma_wait3A_249 : memref<1x128xi32, #tpu.memory_space<vmem>> -> memref<128xi32, #tpu.memory_space<vmem>>
      %dma_wait3A_251 = arith.constant 0 : i32
      %dma_wait3A_252 = arith.constant 0 : i32
      %dma_wait3A_253 = tpu.memref_slice %arg3[%dma_wait3A_251, %dma_wait3A_252] : memref<100000x128xf32, #tpu.memory_space<hbm>> -> memref<100000x128xf32, #tpu.memory_space<hbm>>
      tpu.wait_indirect_dma semaphore(%arg10 : memref<!tpu.dma_semaphore, #tpu.memory_space<semaphore_mem>>) src(%dma_wait3A_253 : memref<100000x128xf32, #tpu.memory_space<hbm>>) dst(%dma_wait3A_247 : memref<128x128xf32, #tpu.memory_space<vmem>>)
      %add3A_254 = arith.constant 3 : i32
      %add3A_255 = arith.addi %mul3A_142, %add3A_254 : i32
      %mul3A_256 = arith.constant 128 : i32
      %mul3A_257 = arith.muli %add3A_255, %mul3A_256 : i32
      %add3A_258 = arith.addi %mul3A_2, %mul3A_257 : i32
      %run_scoped3A_259 = arith.constant 3 : i32
      "tpu.region"() ({
        %run_scoped3A_308 = tpu.sem_alloc : memref<!tpu.dma_semaphore, #tpu.memory_space<semaphore_mem>>
        %dma_start3A_309 = arith.constant 0 : i32
        %dma_start3A_310 = arith.constant 0 : i32
        %dma_start3A_311 = tpu.memref_slice %arg6[%run_scoped3A_259, %dma_start3A_309, %dma_start3A_310] : memref<5x128x128xf32, #tpu.memory_space<vmem>> -> memref<1x128x128xf32, #tpu.memory_space<vmem>>
        %dma_start3A_312 = tpu.memref_squeeze %dma_start3A_311 : memref<1x128x128xf32, #tpu.memory_space<vmem>> -> memref<128x128xf32, #tpu.memory_space<vmem>>
        %dma_start3A_313 = arith.constant 0 : i32
        %dma_start3A_314 = tpu.memref_slice %arg4[%add3A_258, %dma_start3A_313] : memref<819200x128xf32, #tpu.memory_space<hbm>> -> memref<128x128xf32, #tpu.memory_space<hbm>>
        %dma_start3A_315 = arith.constant 0 : i32
        %dma_start3A_316 = tpu.memref_slice %arg4[%add3A_258, %dma_start3A_315] : memref<819200x128xf32, #tpu.memory_space<hbm>> -> memref<128x128xf32, #tpu.memory_space<hbm>>
        %dma_start3A_317 = arith.constant 0 : i32
        %dma_start3A_318 = arith.constant 0 : i32
        %dma_start3A_319 = tpu.memref_slice %arg6[%run_scoped3A_259, %dma_start3A_317, %dma_start3A_318] : memref<5x128x128xf32, #tpu.memory_space<vmem>> -> memref<1x128x128xf32, #tpu.memory_space<vmem>>
        %dma_start3A_320 = tpu.memref_squeeze %dma_start3A_319 : memref<1x128x128xf32, #tpu.memory_space<vmem>> -> memref<128x128xf32, #tpu.memory_space<vmem>>
        tpu.enqueue_dma source(%dma_start3A_320 : memref<128x128xf32, #tpu.memory_space<vmem>>) target(%dma_start3A_316 : memref<128x128xf32, #tpu.memory_space<hbm>>) target_semaphore(%run_scoped3A_308 : memref<!tpu.dma_semaphore, #tpu.memory_space<semaphore_mem>>)
        %dma_wait3A_321 = arith.constant 0 : i32
        %dma_wait3A_322 = arith.constant 0 : i32
        %dma_wait3A_323 = tpu.memref_slice %arg6[%run_scoped3A_259, %dma_wait3A_321, %dma_wait3A_322] : memref<5x128x128xf32, #tpu.memory_space<vmem>> -> memref<1x128x128xf32, #tpu.memory_space<vmem>>
        %dma_wait3A_324 = tpu.memref_squeeze %dma_wait3A_323 : memref<1x128x128xf32, #tpu.memory_space<vmem>> -> memref<128x128xf32, #tpu.memory_space<vmem>>
        %dma_wait3A_325 = arith.constant 0 : i32
        %dma_wait3A_326 = tpu.memref_slice %arg4[%add3A_258, %dma_wait3A_325] : memref<819200x128xf32, #tpu.memory_space<hbm>> -> memref<128x128xf32, #tpu.memory_space<hbm>>
        %dma_wait3A_327 = arith.constant 0 : i32
        %dma_wait3A_328 = tpu.memref_slice %arg4[%add3A_258, %dma_wait3A_327] : memref<819200x128xf32, #tpu.memory_space<hbm>> -> memref<128x128xf32, #tpu.memory_space<hbm>>
        %dma_wait3A_329 = arith.constant 0 : i32
        %dma_wait3A_330 = arith.constant 0 : i32
        %dma_wait3A_331 = tpu.memref_slice %arg6[%run_scoped3A_259, %dma_wait3A_329, %dma_wait3A_330] : memref<5x128x128xf32, #tpu.memory_space<vmem>> -> memref<1x128x128xf32, #tpu.memory_space<vmem>>
        %dma_wait3A_332 = tpu.memref_squeeze %dma_wait3A_331 : memref<1x128x128xf32, #tpu.memory_space<vmem>> -> memref<128x128xf32, #tpu.memory_space<vmem>>
        tpu.wait_dma2 semaphore(%run_scoped3A_308 : memref<!tpu.dma_semaphore, #tpu.memory_space<semaphore_mem>>) src(%dma_wait3A_332 : memref<128x128xf32, #tpu.memory_space<vmem>>) dst(%dma_wait3A_328 : memref<128x128xf32, #tpu.memory_space<hbm>>)
        tpu.yield
      }) : () -> ()
      %add3A_260 = arith.constant 3 : i32
      %add3A_261 = arith.addi %mul3A_142, %add3A_260 : i32
      %add3A_262 = arith.constant 5 : i32
      %add3A_263 = arith.addi %add3A_261, %add3A_262 : i32
      %dma_start3A_264 = arith.constant 3 : i32
      %dma_start3A_265 = arith.constant 0 : i32
      %dma_start3A_266 = arith.constant 0 : i32
      %dma_start3A_267 = tpu.memref_slice %arg6[%dma_start3A_264, %dma_start3A_265, %dma_start3A_266] : memref<5x128x128xf32, #tpu.memory_space<vmem>> -> memref<1x128x128xf32, #tpu.memory_space<vmem>>
      %dma_start3A_268 = tpu.memref_squeeze %dma_start3A_267 : memref<1x128x128xf32, #tpu.memory_space<vmem>> -> memref<128x128xf32, #tpu.memory_space<vmem>>
      %dma_start3A_269 = arith.constant 0 : i32
      %dma_start3A_270 = tpu.memref_slice %arg5[%add3A_263, %dma_start3A_269] : memref<200x128xi32, #tpu.memory_space<vmem>> -> memref<1x128xi32, #tpu.memory_space<vmem>>
      %dma_start3A_271 = tpu.memref_squeeze %dma_start3A_270 : memref<1x128xi32, #tpu.memory_space<vmem>> -> memref<128xi32, #tpu.memory_space<vmem>>
      %dma_start3A_272 = arith.constant 0 : i32
      %dma_start3A_273 = arith.constant 0 : i32
      %dma_start3A_274 = tpu.memref_slice %arg3[%dma_start3A_272, %dma_start3A_273] : memref<100000x128xf32, #tpu.memory_space<hbm>> -> memref<100000x128xf32, #tpu.memory_space<hbm>>
      tpu.enqueue_indirect_dma source(%dma_start3A_274 : memref<100000x128xf32, #tpu.memory_space<hbm>>) target(%dma_start3A_268 : memref<128x128xf32, #tpu.memory_space<vmem>>) offsets(%dma_start3A_271 : memref<128xi32, #tpu.memory_space<vmem>>) semaphore(%arg10 : memref<!tpu.dma_semaphore, #tpu.memory_space<semaphore_mem>>)
      %dma_wait3A_275 = arith.constant 0 : i32
      %dma_wait3A_276 = arith.constant 4 : i32
      %dma_wait3A_277 = arith.constant 0 : i32
      %dma_wait3A_278 = arith.constant 0 : i32
      %dma_wait3A_279 = tpu.memref_slice %arg6[%dma_wait3A_276, %dma_wait3A_277, %dma_wait3A_278] : memref<5x128x128xf32, #tpu.memory_space<vmem>> -> memref<1x128x128xf32, #tpu.memory_space<vmem>>
      %dma_wait3A_280 = tpu.memref_squeeze %dma_wait3A_279 : memref<1x128x128xf32, #tpu.memory_space<vmem>> -> memref<128x128xf32, #tpu.memory_space<vmem>>
      %dma_wait3A_281 = arith.constant 0 : i32
      %dma_wait3A_282 = tpu.memref_slice %arg5[%dma_wait3A_275, %dma_wait3A_281] : memref<200x128xi32, #tpu.memory_space<vmem>> -> memref<1x128xi32, #tpu.memory_space<vmem>>
      %dma_wait3A_283 = tpu.memref_squeeze %dma_wait3A_282 : memref<1x128xi32, #tpu.memory_space<vmem>> -> memref<128xi32, #tpu.memory_space<vmem>>
      %dma_wait3A_284 = arith.constant 0 : i32
      %dma_wait3A_285 = arith.constant 0 : i32
      %dma_wait3A_286 = tpu.memref_slice %arg3[%dma_wait3A_284, %dma_wait3A_285] : memref<100000x128xf32, #tpu.memory_space<hbm>> -> memref<100000x128xf32, #tpu.memory_space<hbm>>
      tpu.wait_indirect_dma semaphore(%arg11 : memref<!tpu.dma_semaphore, #tpu.memory_space<semaphore_mem>>) src(%dma_wait3A_286 : memref<100000x128xf32, #tpu.memory_space<hbm>>) dst(%dma_wait3A_280 : memref<128x128xf32, #tpu.memory_space<vmem>>)
      %add3A_287 = arith.constant 4 : i32
      %add3A_288 = arith.addi %mul3A_142, %add3A_287 : i32
      %mul3A_289 = arith.constant 128 : i32
      %mul3A_290 = arith.muli %add3A_288, %mul3A_289 : i32
      %add3A_291 = arith.addi %mul3A_2, %mul3A_290 : i32
      %run_scoped3A_292 = arith.constant 4 : i32
      "tpu.region"() ({
        %run_scoped3A_308 = tpu.sem_alloc : memref<!tpu.dma_semaphore, #tpu.memory_space<semaphore_mem>>
        %dma_start3A_309 = arith.constant 0 : i32
        %dma_start3A_310 = arith.constant 0 : i32
        %dma_start3A_311 = tpu.memref_slice %arg6[%run_scoped3A_292, %dma_start3A_309, %dma_start3A_310] : memref<5x128x128xf32, #tpu.memory_space<vmem>> -> memref<1x128x128xf32, #tpu.memory_space<vmem>>
        %dma_start3A_312 = tpu.memref_squeeze %dma_start3A_311 : memref<1x128x128xf32, #tpu.memory_space<vmem>> -> memref<128x128xf32, #tpu.memory_space<vmem>>
        %dma_start3A_313 = arith.constant 0 : i32
        %dma_start3A_314 = tpu.memref_slice %arg4[%add3A_291, %dma_start3A_313] : memref<819200x128xf32, #tpu.memory_space<hbm>> -> memref<128x128xf32, #tpu.memory_space<hbm>>
        %dma_start3A_315 = arith.constant 0 : i32
        %dma_start3A_316 = tpu.memref_slice %arg4[%add3A_291, %dma_start3A_315] : memref<819200x128xf32, #tpu.memory_space<hbm>> -> memref<128x128xf32, #tpu.memory_space<hbm>>
        %dma_start3A_317 = arith.constant 0 : i32
        %dma_start3A_318 = arith.constant 0 : i32
        %dma_start3A_319 = tpu.memref_slice %arg6[%run_scoped3A_292, %dma_start3A_317, %dma_start3A_318] : memref<5x128x128xf32, #tpu.memory_space<vmem>> -> memref<1x128x128xf32, #tpu.memory_space<vmem>>
        %dma_start3A_320 = tpu.memref_squeeze %dma_start3A_319 : memref<1x128x128xf32, #tpu.memory_space<vmem>> -> memref<128x128xf32, #tpu.memory_space<vmem>>
        tpu.enqueue_dma source(%dma_start3A_320 : memref<128x128xf32, #tpu.memory_space<vmem>>) target(%dma_start3A_316 : memref<128x128xf32, #tpu.memory_space<hbm>>) target_semaphore(%run_scoped3A_308 : memref<!tpu.dma_semaphore, #tpu.memory_space<semaphore_mem>>)
        %dma_wait3A_321 = arith.constant 0 : i32
        %dma_wait3A_322 = arith.constant 0 : i32
        %dma_wait3A_323 = tpu.memref_slice %arg6[%run_scoped3A_292, %dma_wait3A_321, %dma_wait3A_322] : memref<5x128x128xf32, #tpu.memory_space<vmem>> -> memref<1x128x128xf32, #tpu.memory_space<vmem>>
        %dma_wait3A_324 = tpu.memref_squeeze %dma_wait3A_323 : memref<1x128x128xf32, #tpu.memory_space<vmem>> -> memref<128x128xf32, #tpu.memory_space<vmem>>
        %dma_wait3A_325 = arith.constant 0 : i32
        %dma_wait3A_326 = tpu.memref_slice %arg4[%add3A_291, %dma_wait3A_325] : memref<819200x128xf32, #tpu.memory_space<hbm>> -> memref<128x128xf32, #tpu.memory_space<hbm>>
        %dma_wait3A_327 = arith.constant 0 : i32
        %dma_wait3A_328 = tpu.memref_slice %arg4[%add3A_291, %dma_wait3A_327] : memref<819200x128xf32, #tpu.memory_space<hbm>> -> memref<128x128xf32, #tpu.memory_space<hbm>>
        %dma_wait3A_329 = arith.constant 0 : i32
        %dma_wait3A_330 = arith.constant 0 : i32
        %dma_wait3A_331 = tpu.memref_slice %arg6[%run_scoped3A_292, %dma_wait3A_329, %dma_wait3A_330] : memref<5x128x128xf32, #tpu.memory_space<vmem>> -> memref<1x128x128xf32, #tpu.memory_space<vmem>>
        %dma_wait3A_332 = tpu.memref_squeeze %dma_wait3A_331 : memref<1x128x128xf32, #tpu.memory_space<vmem>> -> memref<128x128xf32, #tpu.memory_space<vmem>>
        tpu.wait_dma2 semaphore(%run_scoped3A_308 : memref<!tpu.dma_semaphore, #tpu.memory_space<semaphore_mem>>) src(%dma_wait3A_332 : memref<128x128xf32, #tpu.memory_space<vmem>>) dst(%dma_wait3A_328 : memref<128x128xf32, #tpu.memory_space<hbm>>)
        tpu.yield
      }) : () -> ()
      %add3A_293 = arith.constant 4 : i32
      %add3A_294 = arith.addi %mul3A_142, %add3A_293 : i32
      %add3A_295 = arith.constant 5 : i32
      %add3A_296 = arith.addi %add3A_294, %add3A_295 : i32
      %dma_start3A_297 = arith.constant 4 : i32
      %dma_start3A_298 = arith.constant 0 : i32
      %dma_start3A_299 = arith.constant 0 : i32
      %dma_start3A_300 = tpu.memref_slice %arg6[%dma_start3A_297, %dma_start3A_298, %dma_start3A_299] : memref<5x128x128xf32, #tpu.memory_space<vmem>> -> memref<1x128x128xf32, #tpu.memory_space<vmem>>
      %dma_start3A_301 = tpu.memref_squeeze %dma_start3A_300 : memref<1x128x128xf32, #tpu.memory_space<vmem>> -> memref<128x128xf32, #tpu.memory_space<vmem>>
      %dma_start3A_302 = arith.constant 0 : i32
      %dma_start3A_303 = tpu.memref_slice %arg5[%add3A_296, %dma_start3A_302] : memref<200x128xi32, #tpu.memory_space<vmem>> -> memref<1x128xi32, #tpu.memory_space<vmem>>
      %dma_start3A_304 = tpu.memref_squeeze %dma_start3A_303 : memref<1x128xi32, #tpu.memory_space<vmem>> -> memref<128xi32, #tpu.memory_space<vmem>>
      %dma_start3A_305 = arith.constant 0 : i32
      %dma_start3A_306 = arith.constant 0 : i32
      %dma_start3A_307 = tpu.memref_slice %arg3[%dma_start3A_305, %dma_start3A_306] : memref<100000x128xf32, #tpu.memory_space<hbm>> -> memref<100000x128xf32, #tpu.memory_space<hbm>>
      tpu.enqueue_indirect_dma source(%dma_start3A_307 : memref<100000x128xf32, #tpu.memory_space<hbm>>) target(%dma_start3A_301 : memref<128x128xf32, #tpu.memory_space<vmem>>) offsets(%dma_start3A_304 : memref<128xi32, #tpu.memory_space<vmem>>) semaphore(%arg11 : memref<!tpu.dma_semaphore, #tpu.memory_space<semaphore_mem>>)
    }
    %scan3A_66 = arith.constant 39 : i32
    %dma_wait3A = arith.constant 0 : i32
    %dma_wait3A_67 = arith.constant 0 : i32
    %dma_wait3A_68 = arith.constant 0 : i32
    %dma_wait3A_69 = arith.constant 0 : i32
    %dma_wait3A_70 = tpu.memref_slice %arg6[%dma_wait3A_67, %dma_wait3A_68, %dma_wait3A_69] : memref<5x128x128xf32, #tpu.memory_space<vmem>> -> memref<1x128x128xf32, #tpu.memory_space<vmem>>
    %dma_wait3A_71 = tpu.memref_squeeze %dma_wait3A_70 : memref<1x128x128xf32, #tpu.memory_space<vmem>> -> memref<128x128xf32, #tpu.memory_space<vmem>>
    %dma_wait3A_72 = arith.constant 0 : i32
    %dma_wait3A_73 = tpu.memref_slice %arg5[%dma_wait3A, %dma_wait3A_72] : memref<200x128xi32, #tpu.memory_space<vmem>> -> memref<1x128xi32, #tpu.memory_space<vmem>>
    %dma_wait3A_74 = tpu.memref_squeeze %dma_wait3A_73 : memref<1x128xi32, #tpu.memory_space<vmem>> -> memref<128xi32, #tpu.memory_space<vmem>>
    %dma_wait3A_75 = arith.constant 0 : i32
    %dma_wait3A_76 = arith.constant 0 : i32
    %dma_wait3A_77 = tpu.memref_slice %arg3[%dma_wait3A_75, %dma_wait3A_76] : memref<100000x128xf32, #tpu.memory_space<hbm>> -> memref<100000x128xf32, #tpu.memory_space<hbm>>
    tpu.wait_indirect_dma semaphore(%arg7 : memref<!tpu.dma_semaphore, #tpu.memory_space<semaphore_mem>>) src(%dma_wait3A_77 : memref<100000x128xf32, #tpu.memory_space<hbm>>) dst(%dma_wait3A_71 : memref<128x128xf32, #tpu.memory_space<vmem>>)
    %add3A_78 = arith.constant 24960 : i32
    %add3A_79 = arith.addi %mul3A_2, %add3A_78 : i32
    %run_scoped3A = arith.constant 0 : i32
    "tpu.region"() ({
      %run_scoped3A_140 = tpu.sem_alloc : memref<!tpu.dma_semaphore, #tpu.memory_space<semaphore_mem>>
      %dma_start3A_141 = arith.constant 0 : i32
      %dma_start3A_142 = arith.constant 0 : i32
      %dma_start3A_143 = tpu.memref_slice %arg6[%run_scoped3A, %dma_start3A_141, %dma_start3A_142] : memref<5x128x128xf32, #tpu.memory_space<vmem>> -> memref<1x128x128xf32, #tpu.memory_space<vmem>>
      %dma_start3A_144 = tpu.memref_squeeze %dma_start3A_143 : memref<1x128x128xf32, #tpu.memory_space<vmem>> -> memref<128x128xf32, #tpu.memory_space<vmem>>
      %dma_start3A_145 = arith.constant 0 : i32
      %dma_start3A_146 = tpu.memref_slice %arg4[%add3A_79, %dma_start3A_145] : memref<819200x128xf32, #tpu.memory_space<hbm>> -> memref<128x128xf32, #tpu.memory_space<hbm>>
      %dma_start3A_147 = arith.constant 0 : i32
      %dma_start3A_148 = tpu.memref_slice %arg4[%add3A_79, %dma_start3A_147] : memref<819200x128xf32, #tpu.memory_space<hbm>> -> memref<128x128xf32, #tpu.memory_space<hbm>>
      %dma_start3A_149 = arith.constant 0 : i32
      %dma_start3A_150 = arith.constant 0 : i32
      %dma_start3A_151 = tpu.memref_slice %arg6[%run_scoped3A, %dma_start3A_149, %dma_start3A_150] : memref<5x128x128xf32, #tpu.memory_space<vmem>> -> memref<1x128x128xf32, #tpu.memory_space<vmem>>
      %dma_start3A_152 = tpu.memref_squeeze %dma_start3A_151 : memref<1x128x128xf32, #tpu.memory_space<vmem>> -> memref<128x128xf32, #tpu.memory_space<vmem>>
      tpu.enqueue_dma source(%dma_start3A_152 : memref<128x128xf32, #tpu.memory_space<vmem>>) target(%dma_start3A_148 : memref<128x128xf32, #tpu.memory_space<hbm>>) target_semaphore(%run_scoped3A_140 : memref<!tpu.dma_semaphore, #tpu.memory_space<semaphore_mem>>)
      %dma_wait3A_153 = arith.constant 0 : i32
      %dma_wait3A_154 = arith.constant 0 : i32
      %dma_wait3A_155 = tpu.memref_slice %arg6[%run_scoped3A, %dma_wait3A_153, %dma_wait3A_154] : memref<5x128x128xf32, #tpu.memory_space<vmem>> -> memref<1x128x128xf32, #tpu.memory_space<vmem>>
      %dma_wait3A_156 = tpu.memref_squeeze %dma_wait3A_155 : memref<1x128x128xf32, #tpu.memory_space<vmem>> -> memref<128x128xf32, #tpu.memory_space<vmem>>
      %dma_wait3A_157 = arith.constant 0 : i32
      %dma_wait3A_158 = tpu.memref_slice %arg4[%add3A_79, %dma_wait3A_157] : memref<819200x128xf32, #tpu.memory_space<hbm>> -> memref<128x128xf32, #tpu.memory_space<hbm>>
      %dma_wait3A_159 = arith.constant 0 : i32
      %dma_wait3A_160 = tpu.memref_slice %arg4[%add3A_79, %dma_wait3A_159] : memref<819200x128xf32, #tpu.memory_space<hbm>> -> memref<128x128xf32, #tpu.memory_space<hbm>>
      %dma_wait3A_161 = arith.constant 0 : i32
      %dma_wait3A_162 = arith.constant 0 : i32
      %dma_wait3A_163 = tpu.memref_slice %arg6[%run_scoped3A, %dma_wait3A_161, %dma_wait3A_162] : memref<5x128x128xf32, #tpu.memory_space<vmem>> -> memref<1x128x128xf32, #tpu.memory_space<vmem>>
      %dma_wait3A_164 = tpu.memref_squeeze %dma_wait3A_163 : memref<1x128x128xf32, #tpu.memory_space<vmem>> -> memref<128x128xf32, #tpu.memory_space<vmem>>
      tpu.wait_dma2 semaphore(%run_scoped3A_140 : memref<!tpu.dma_semaphore, #tpu.memory_space<semaphore_mem>>) src(%dma_wait3A_164 : memref<128x128xf32, #tpu.memory_space<vmem>>) dst(%dma_wait3A_160 : memref<128x128xf32, #tpu.memory_space<hbm>>)
      tpu.yield
    }) : () -> ()
    %dma_wait3A_80 = arith.constant 0 : i32
    %dma_wait3A_81 = arith.constant 1 : i32
    %dma_wait3A_82 = arith.constant 0 : i32
    %dma_wait3A_83 = arith.constant 0 : i32
    %dma_wait3A_84 = tpu.memref_slice %arg6[%dma_wait3A_81, %dma_wait3A_82, %dma_wait3A_83] : memref<5x128x128xf32, #tpu.memory_space<vmem>> -> memref<1x128x128xf32, #tpu.memory_space<vmem>>
    %dma_wait3A_85 = tpu.memref_squeeze %dma_wait3A_84 : memref<1x128x128xf32, #tpu.memory_space<vmem>> -> memref<128x128xf32, #tpu.memory_space<vmem>>
    %dma_wait3A_86 = arith.constant 0 : i32
    %dma_wait3A_87 = tpu.memref_slice %arg5[%dma_wait3A_80, %dma_wait3A_86] : memref<200x128xi32, #tpu.memory_space<vmem>> -> memref<1x128xi32, #tpu.memory_space<vmem>>
    %dma_wait3A_88 = tpu.memref_squeeze %dma_wait3A_87 : memref<1x128xi32, #tpu.memory_space<vmem>> -> memref<128xi32, #tpu.memory_space<vmem>>
    %dma_wait3A_89 = arith.constant 0 : i32
    %dma_wait3A_90 = arith.constant 0 : i32
    %dma_wait3A_91 = tpu.memref_slice %arg3[%dma_wait3A_89, %dma_wait3A_90] : memref<100000x128xf32, #tpu.memory_space<hbm>> -> memref<100000x128xf32, #tpu.memory_space<hbm>>
    tpu.wait_indirect_dma semaphore(%arg8 : memref<!tpu.dma_semaphore, #tpu.memory_space<semaphore_mem>>) src(%dma_wait3A_91 : memref<100000x128xf32, #tpu.memory_space<hbm>>) dst(%dma_wait3A_85 : memref<128x128xf32, #tpu.memory_space<vmem>>)
    %add3A_92 = arith.constant 25088 : i32
    %add3A_93 = arith.addi %mul3A_2, %add3A_92 : i32
    %run_scoped3A_94 = arith.constant 1 : i32
    "tpu.region"() ({
      %run_scoped3A_140 = tpu.sem_alloc : memref<!tpu.dma_semaphore, #tpu.memory_space<semaphore_mem>>
      %dma_start3A_141 = arith.constant 0 : i32
      %dma_start3A_142 = arith.constant 0 : i32
      %dma_start3A_143 = tpu.memref_slice %arg6[%run_scoped3A_94, %dma_start3A_141, %dma_start3A_142] : memref<5x128x128xf32, #tpu.memory_space<vmem>> -> memref<1x128x128xf32, #tpu.memory_space<vmem>>
      %dma_start3A_144 = tpu.memref_squeeze %dma_start3A_143 : memref<1x128x128xf32, #tpu.memory_space<vmem>> -> memref<128x128xf32, #tpu.memory_space<vmem>>
      %dma_start3A_145 = arith.constant 0 : i32
      %dma_start3A_146 = tpu.memref_slice %arg4[%add3A_93, %dma_start3A_145] : memref<819200x128xf32, #tpu.memory_space<hbm>> -> memref<128x128xf32, #tpu.memory_space<hbm>>
      %dma_start3A_147 = arith.constant 0 : i32
      %dma_start3A_148 = tpu.memref_slice %arg4[%add3A_93, %dma_start3A_147] : memref<819200x128xf32, #tpu.memory_space<hbm>> -> memref<128x128xf32, #tpu.memory_space<hbm>>
      %dma_start3A_149 = arith.constant 0 : i32
      %dma_start3A_150 = arith.constant 0 : i32
      %dma_start3A_151 = tpu.memref_slice %arg6[%run_scoped3A_94, %dma_start3A_149, %dma_start3A_150] : memref<5x128x128xf32, #tpu.memory_space<vmem>> -> memref<1x128x128xf32, #tpu.memory_space<vmem>>
      %dma_start3A_152 = tpu.memref_squeeze %dma_start3A_151 : memref<1x128x128xf32, #tpu.memory_space<vmem>> -> memref<128x128xf32, #tpu.memory_space<vmem>>
      tpu.enqueue_dma source(%dma_start3A_152 : memref<128x128xf32, #tpu.memory_space<vmem>>) target(%dma_start3A_148 : memref<128x128xf32, #tpu.memory_space<hbm>>) target_semaphore(%run_scoped3A_140 : memref<!tpu.dma_semaphore, #tpu.memory_space<semaphore_mem>>)
      %dma_wait3A_153 = arith.constant 0 : i32
      %dma_wait3A_154 = arith.constant 0 : i32
      %dma_wait3A_155 = tpu.memref_slice %arg6[%run_scoped3A_94, %dma_wait3A_153, %dma_wait3A_154] : memref<5x128x128xf32, #tpu.memory_space<vmem>> -> memref<1x128x128xf32, #tpu.memory_space<vmem>>
      %dma_wait3A_156 = tpu.memref_squeeze %dma_wait3A_155 : memref<1x128x128xf32, #tpu.memory_space<vmem>> -> memref<128x128xf32, #tpu.memory_space<vmem>>
      %dma_wait3A_157 = arith.constant 0 : i32
      %dma_wait3A_158 = tpu.memref_slice %arg4[%add3A_93, %dma_wait3A_157] : memref<819200x128xf32, #tpu.memory_space<hbm>> -> memref<128x128xf32, #tpu.memory_space<hbm>>
      %dma_wait3A_159 = arith.constant 0 : i32
      %dma_wait3A_160 = tpu.memref_slice %arg4[%add3A_93, %dma_wait3A_159] : memref<819200x128xf32, #tpu.memory_space<hbm>> -> memref<128x128xf32, #tpu.memory_space<hbm>>
      %dma_wait3A_161 = arith.constant 0 : i32
      %dma_wait3A_162 = arith.constant 0 : i32
      %dma_wait3A_163 = tpu.memref_slice %arg6[%run_scoped3A_94, %dma_wait3A_161, %dma_wait3A_162] : memref<5x128x128xf32, #tpu.memory_space<vmem>> -> memref<1x128x128xf32, #tpu.memory_space<vmem>>
      %dma_wait3A_164 = tpu.memref_squeeze %dma_wait3A_163 : memref<1x128x128xf32, #tpu.memory_space<vmem>> -> memref<128x128xf32, #tpu.memory_space<vmem>>
      tpu.wait_dma2 semaphore(%run_scoped3A_140 : memref<!tpu.dma_semaphore, #tpu.memory_space<semaphore_mem>>) src(%dma_wait3A_164 : memref<128x128xf32, #tpu.memory_space<vmem>>) dst(%dma_wait3A_160 : memref<128x128xf32, #tpu.memory_space<hbm>>)
      tpu.yield
    }) : () -> ()
    %dma_wait3A_95 = arith.constant 0 : i32
    %dma_wait3A_96 = arith.constant 2 : i32
    %dma_wait3A_97 = arith.constant 0 : i32
    %dma_wait3A_98 = arith.constant 0 : i32
    %dma_wait3A_99 = tpu.memref_slice %arg6[%dma_wait3A_96, %dma_wait3A_97, %dma_wait3A_98] : memref<5x128x128xf32, #tpu.memory_space<vmem>> -> memref<1x128x128xf32, #tpu.memory_space<vmem>>
    %dma_wait3A_100 = tpu.memref_squeeze %dma_wait3A_99 : memref<1x128x128xf32, #tpu.memory_space<vmem>> -> memref<128x128xf32, #tpu.memory_space<vmem>>
    %dma_wait3A_101 = arith.constant 0 : i32
    %dma_wait3A_102 = tpu.memref_slice %arg5[%dma_wait3A_95, %dma_wait3A_101] : memref<200x128xi32, #tpu.memory_space<vmem>> -> memref<1x128xi32, #tpu.memory_space<vmem>>
    %dma_wait3A_103 = tpu.memref_squeeze %dma_wait3A_102 : memref<1x128xi32, #tpu.memory_space<vmem>> -> memref<128xi32, #tpu.memory_space<vmem>>
    %dma_wait3A_104 = arith.constant 0 : i32
    %dma_wait3A_105 = arith.constant 0 : i32
    %dma_wait3A_106 = tpu.memref_slice %arg3[%dma_wait3A_104, %dma_wait3A_105] : memref<100000x128xf32, #tpu.memory_space<hbm>> -> memref<100000x128xf32, #tpu.memory_space<hbm>>
    tpu.wait_indirect_dma semaphore(%arg9 : memref<!tpu.dma_semaphore, #tpu.memory_space<semaphore_mem>>) src(%dma_wait3A_106 : memref<100000x128xf32, #tpu.memory_space<hbm>>) dst(%dma_wait3A_100 : memref<128x128xf32, #tpu.memory_space<vmem>>)
    %add3A_107 = arith.constant 25216 : i32
    %add3A_108 = arith.addi %mul3A_2, %add3A_107 : i32
    %run_scoped3A_109 = arith.constant 2 : i32
    "tpu.region"() ({
      %run_scoped3A_140 = tpu.sem_alloc : memref<!tpu.dma_semaphore, #tpu.memory_space<semaphore_mem>>
      %dma_start3A_141 = arith.constant 0 : i32
      %dma_start3A_142 = arith.constant 0 : i32
      %dma_start3A_143 = tpu.memref_slice %arg6[%run_scoped3A_109, %dma_start3A_141, %dma_start3A_142] : memref<5x128x128xf32, #tpu.memory_space<vmem>> -> memref<1x128x128xf32, #tpu.memory_space<vmem>>
      %dma_start3A_144 = tpu.memref_squeeze %dma_start3A_143 : memref<1x128x128xf32, #tpu.memory_space<vmem>> -> memref<128x128xf32, #tpu.memory_space<vmem>>
      %dma_start3A_145 = arith.constant 0 : i32
      %dma_start3A_146 = tpu.memref_slice %arg4[%add3A_108, %dma_start3A_145] : memref<819200x128xf32, #tpu.memory_space<hbm>> -> memref<128x128xf32, #tpu.memory_space<hbm>>
      %dma_start3A_147 = arith.constant 0 : i32
      %dma_start3A_148 = tpu.memref_slice %arg4[%add3A_108, %dma_start3A_147] : memref<819200x128xf32, #tpu.memory_space<hbm>> -> memref<128x128xf32, #tpu.memory_space<hbm>>
      %dma_start3A_149 = arith.constant 0 : i32
      %dma_start3A_150 = arith.constant 0 : i32
      %dma_start3A_151 = tpu.memref_slice %arg6[%run_scoped3A_109, %dma_start3A_149, %dma_start3A_150] : memref<5x128x128xf32, #tpu.memory_space<vmem>> -> memref<1x128x128xf32, #tpu.memory_space<vmem>>
      %dma_start3A_152 = tpu.memref_squeeze %dma_start3A_151 : memref<1x128x128xf32, #tpu.memory_space<vmem>> -> memref<128x128xf32, #tpu.memory_space<vmem>>
      tpu.enqueue_dma source(%dma_start3A_152 : memref<128x128xf32, #tpu.memory_space<vmem>>) target(%dma_start3A_148 : memref<128x128xf32, #tpu.memory_space<hbm>>) target_semaphore(%run_scoped3A_140 : memref<!tpu.dma_semaphore, #tpu.memory_space<semaphore_mem>>)
      %dma_wait3A_153 = arith.constant 0 : i32
      %dma_wait3A_154 = arith.constant 0 : i32
      %dma_wait3A_155 = tpu.memref_slice %arg6[%run_scoped3A_109, %dma_wait3A_153, %dma_wait3A_154] : memref<5x128x128xf32, #tpu.memory_space<vmem>> -> memref<1x128x128xf32, #tpu.memory_space<vmem>>
      %dma_wait3A_156 = tpu.memref_squeeze %dma_wait3A_155 : memref<1x128x128xf32, #tpu.memory_space<vmem>> -> memref<128x128xf32, #tpu.memory_space<vmem>>
      %dma_wait3A_157 = arith.constant 0 : i32
      %dma_wait3A_158 = tpu.memref_slice %arg4[%add3A_108, %dma_wait3A_157] : memref<819200x128xf32, #tpu.memory_space<hbm>> -> memref<128x128xf32, #tpu.memory_space<hbm>>
      %dma_wait3A_159 = arith.constant 0 : i32
      %dma_wait3A_160 = tpu.memref_slice %arg4[%add3A_108, %dma_wait3A_159] : memref<819200x128xf32, #tpu.memory_space<hbm>> -> memref<128x128xf32, #tpu.memory_space<hbm>>
      %dma_wait3A_161 = arith.constant 0 : i32
      %dma_wait3A_162 = arith.constant 0 : i32
      %dma_wait3A_163 = tpu.memref_slice %arg6[%run_scoped3A_109, %dma_wait3A_161, %dma_wait3A_162] : memref<5x128x128xf32, #tpu.memory_space<vmem>> -> memref<1x128x128xf32, #tpu.memory_space<vmem>>
      %dma_wait3A_164 = tpu.memref_squeeze %dma_wait3A_163 : memref<1x128x128xf32, #tpu.memory_space<vmem>> -> memref<128x128xf32, #tpu.memory_space<vmem>>
      tpu.wait_dma2 semaphore(%run_scoped3A_140 : memref<!tpu.dma_semaphore, #tpu.memory_space<semaphore_mem>>) src(%dma_wait3A_164 : memref<128x128xf32, #tpu.memory_space<vmem>>) dst(%dma_wait3A_160 : memref<128x128xf32, #tpu.memory_space<hbm>>)
      tpu.yield
    }) : () -> ()
    %dma_wait3A_110 = arith.constant 0 : i32
    %dma_wait3A_111 = arith.constant 3 : i32
    %dma_wait3A_112 = arith.constant 0 : i32
    %dma_wait3A_113 = arith.constant 0 : i32
    %dma_wait3A_114 = tpu.memref_slice %arg6[%dma_wait3A_111, %dma_wait3A_112, %dma_wait3A_113] : memref<5x128x128xf32, #tpu.memory_space<vmem>> -> memref<1x128x128xf32, #tpu.memory_space<vmem>>
    %dma_wait3A_115 = tpu.memref_squeeze %dma_wait3A_114 : memref<1x128x128xf32, #tpu.memory_space<vmem>> -> memref<128x128xf32, #tpu.memory_space<vmem>>
    %dma_wait3A_116 = arith.constant 0 : i32
    %dma_wait3A_117 = tpu.memref_slice %arg5[%dma_wait3A_110, %dma_wait3A_116] : memref<200x128xi32, #tpu.memory_space<vmem>> -> memref<1x128xi32, #tpu.memory_space<vmem>>
    %dma_wait3A_118 = tpu.memref_squeeze %dma_wait3A_117 : memref<1x128xi32, #tpu.memory_space<vmem>> -> memref<128xi32, #tpu.memory_space<vmem>>
    %dma_wait3A_119 = arith.constant 0 : i32
    %dma_wait3A_120 = arith.constant 0 : i32
    %dma_wait3A_121 = tpu.memref_slice %arg3[%dma_wait3A_119, %dma_wait3A_120] : memref<100000x128xf32, #tpu.memory_space<hbm>> -> memref<100000x128xf32, #tpu.memory_space<hbm>>
    tpu.wait_indirect_dma semaphore(%arg10 : memref<!tpu.dma_semaphore, #tpu.memory_space<semaphore_mem>>) src(%dma_wait3A_121 : memref<100000x128xf32, #tpu.memory_space<hbm>>) dst(%dma_wait3A_115 : memref<128x128xf32, #tpu.memory_space<vmem>>)
    %add3A_122 = arith.constant 25344 : i32
    %add3A_123 = arith.addi %mul3A_2, %add3A_122 : i32
    %run_scoped3A_124 = arith.constant 3 : i32
    "tpu.region"() ({
      %run_scoped3A_140 = tpu.sem_alloc : memref<!tpu.dma_semaphore, #tpu.memory_space<semaphore_mem>>
      %dma_start3A_141 = arith.constant 0 : i32
      %dma_start3A_142 = arith.constant 0 : i32
      %dma_start3A_143 = tpu.memref_slice %arg6[%run_scoped3A_124, %dma_start3A_141, %dma_start3A_142] : memref<5x128x128xf32, #tpu.memory_space<vmem>> -> memref<1x128x128xf32, #tpu.memory_space<vmem>>
      %dma_start3A_144 = tpu.memref_squeeze %dma_start3A_143 : memref<1x128x128xf32, #tpu.memory_space<vmem>> -> memref<128x128xf32, #tpu.memory_space<vmem>>
      %dma_start3A_145 = arith.constant 0 : i32
      %dma_start3A_146 = tpu.memref_slice %arg4[%add3A_123, %dma_start3A_145] : memref<819200x128xf32, #tpu.memory_space<hbm>> -> memref<128x128xf32, #tpu.memory_space<hbm>>
      %dma_start3A_147 = arith.constant 0 : i32
      %dma_start3A_148 = tpu.memref_slice %arg4[%add3A_123, %dma_start3A_147] : memref<819200x128xf32, #tpu.memory_space<hbm>> -> memref<128x128xf32, #tpu.memory_space<hbm>>
      %dma_start3A_149 = arith.constant 0 : i32
      %dma_start3A_150 = arith.constant 0 : i32
      %dma_start3A_151 = tpu.memref_slice %arg6[%run_scoped3A_124, %dma_start3A_149, %dma_start3A_150] : memref<5x128x128xf32, #tpu.memory_space<vmem>> -> memref<1x128x128xf32, #tpu.memory_space<vmem>>
      %dma_start3A_152 = tpu.memref_squeeze %dma_start3A_151 : memref<1x128x128xf32, #tpu.memory_space<vmem>> -> memref<128x128xf32, #tpu.memory_space<vmem>>
      tpu.enqueue_dma source(%dma_start3A_152 : memref<128x128xf32, #tpu.memory_space<vmem>>) target(%dma_start3A_148 : memref<128x128xf32, #tpu.memory_space<hbm>>) target_semaphore(%run_scoped3A_140 : memref<!tpu.dma_semaphore, #tpu.memory_space<semaphore_mem>>)
      %dma_wait3A_153 = arith.constant 0 : i32
      %dma_wait3A_154 = arith.constant 0 : i32
      %dma_wait3A_155 = tpu.memref_slice %arg6[%run_scoped3A_124, %dma_wait3A_153, %dma_wait3A_154] : memref<5x128x128xf32, #tpu.memory_space<vmem>> -> memref<1x128x128xf32, #tpu.memory_space<vmem>>
      %dma_wait3A_156 = tpu.memref_squeeze %dma_wait3A_155 : memref<1x128x128xf32, #tpu.memory_space<vmem>> -> memref<128x128xf32, #tpu.memory_space<vmem>>
      %dma_wait3A_157 = arith.constant 0 : i32
      %dma_wait3A_158 = tpu.memref_slice %arg4[%add3A_123, %dma_wait3A_157] : memref<819200x128xf32, #tpu.memory_space<hbm>> -> memref<128x128xf32, #tpu.memory_space<hbm>>
      %dma_wait3A_159 = arith.constant 0 : i32
      %dma_wait3A_160 = tpu.memref_slice %arg4[%add3A_123, %dma_wait3A_159] : memref<819200x128xf32, #tpu.memory_space<hbm>> -> memref<128x128xf32, #tpu.memory_space<hbm>>
      %dma_wait3A_161 = arith.constant 0 : i32
      %dma_wait3A_162 = arith.constant 0 : i32
      %dma_wait3A_163 = tpu.memref_slice %arg6[%run_scoped3A_124, %dma_wait3A_161, %dma_wait3A_162] : memref<5x128x128xf32, #tpu.memory_space<vmem>> -> memref<1x128x128xf32, #tpu.memory_space<vmem>>
      %dma_wait3A_164 = tpu.memref_squeeze %dma_wait3A_163 : memref<1x128x128xf32, #tpu.memory_space<vmem>> -> memref<128x128xf32, #tpu.memory_space<vmem>>
      tpu.wait_dma2 semaphore(%run_scoped3A_140 : memref<!tpu.dma_semaphore, #tpu.memory_space<semaphore_mem>>) src(%dma_wait3A_164 : memref<128x128xf32, #tpu.memory_space<vmem>>) dst(%dma_wait3A_160 : memref<128x128xf32, #tpu.memory_space<hbm>>)
      tpu.yield
    }) : () -> ()
    %dma_wait3A_125 = arith.constant 0 : i32
    %dma_wait3A_126 = arith.constant 4 : i32
    %dma_wait3A_127 = arith.constant 0 : i32
    %dma_wait3A_128 = arith.constant 0 : i32
    %dma_wait3A_129 = tpu.memref_slice %arg6[%dma_wait3A_126, %dma_wait3A_127, %dma_wait3A_128] : memref<5x128x128xf32, #tpu.memory_space<vmem>> -> memref<1x128x128xf32, #tpu.memory_space<vmem>>
    %dma_wait3A_130 = tpu.memref_squeeze %dma_wait3A_129 : memref<1x128x128xf32, #tpu.memory_space<vmem>> -> memref<128x128xf32, #tpu.memory_space<vmem>>
    %dma_wait3A_131 = arith.constant 0 : i32
    %dma_wait3A_132 = tpu.memref_slice %arg5[%dma_wait3A_125, %dma_wait3A_131] : memref<200x128xi32, #tpu.memory_space<vmem>> -> memref<1x128xi32, #tpu.memory_space<vmem>>
    %dma_wait3A_133 = tpu.memref_squeeze %dma_wait3A_132 : memref<1x128xi32, #tpu.memory_space<vmem>> -> memref<128xi32, #tpu.memory_space<vmem>>
    %dma_wait3A_134 = arith.constant 0 : i32
    %dma_wait3A_135 = arith.constant 0 : i32
    %dma_wait3A_136 = tpu.memref_slice %arg3[%dma_wait3A_134, %dma_wait3A_135] : memref<100000x128xf32, #tpu.memory_space<hbm>> -> memref<100000x128xf32, #tpu.memory_space<hbm>>
    tpu.wait_indirect_dma semaphore(%arg11 : memref<!tpu.dma_semaphore, #tpu.memory_space<semaphore_mem>>) src(%dma_wait3A_136 : memref<100000x128xf32, #tpu.memory_space<hbm>>) dst(%dma_wait3A_130 : memref<128x128xf32, #tpu.memory_space<vmem>>)
    %add3A_137 = arith.constant 25472 : i32
    %add3A_138 = arith.addi %mul3A_2, %add3A_137 : i32
    %run_scoped3A_139 = arith.constant 4 : i32
    "tpu.region"() ({
      %run_scoped3A_140 = tpu.sem_alloc : memref<!tpu.dma_semaphore, #tpu.memory_space<semaphore_mem>>
      %dma_start3A_141 = arith.constant 0 : i32
      %dma_start3A_142 = arith.constant 0 : i32
      %dma_start3A_143 = tpu.memref_slice %arg6[%run_scoped3A_139, %dma_start3A_141, %dma_start3A_142] : memref<5x128x128xf32, #tpu.memory_space<vmem>> -> memref<1x128x128xf32, #tpu.memory_space<vmem>>
      %dma_start3A_144 = tpu.memref_squeeze %dma_start3A_143 : memref<1x128x128xf32, #tpu.memory_space<vmem>> -> memref<128x128xf32, #tpu.memory_space<vmem>>
      %dma_start3A_145 = arith.constant 0 : i32
      %dma_start3A_146 = tpu.memref_slice %arg4[%add3A_138, %dma_start3A_145] : memref<819200x128xf32, #tpu.memory_space<hbm>> -> memref<128x128xf32, #tpu.memory_space<hbm>>
      %dma_start3A_147 = arith.constant 0 : i32
      %dma_start3A_148 = tpu.memref_slice %arg4[%add3A_138, %dma_start3A_147] : memref<819200x128xf32, #tpu.memory_space<hbm>> -> memref<128x128xf32, #tpu.memory_space<hbm>>
      %dma_start3A_149 = arith.constant 0 : i32
      %dma_start3A_150 = arith.constant 0 : i32
      %dma_start3A_151 = tpu.memref_slice %arg6[%run_scoped3A_139, %dma_start3A_149, %dma_start3A_150] : memref<5x128x128xf32, #tpu.memory_space<vmem>> -> memref<1x128x128xf32, #tpu.memory_space<vmem>>
      %dma_start3A_152 = tpu.memref_squeeze %dma_start3A_151 : memref<1x128x128xf32, #tpu.memory_space<vmem>> -> memref<128x128xf32, #tpu.memory_space<vmem>>
      tpu.enqueue_dma source(%dma_start3A_152 : memref<128x128xf32, #tpu.memory_space<vmem>>) target(%dma_start3A_148 : memref<128x128xf32, #tpu.memory_space<hbm>>) target_semaphore(%run_scoped3A_140 : memref<!tpu.dma_semaphore, #tpu.memory_space<semaphore_mem>>)
      %dma_wait3A_153 = arith.constant 0 : i32
      %dma_wait3A_154 = arith.constant 0 : i32
      %dma_wait3A_155 = tpu.memref_slice %arg6[%run_scoped3A_139, %dma_wait3A_153, %dma_wait3A_154] : memref<5x128x128xf32, #tpu.memory_space<vmem>> -> memref<1x128x128xf32, #tpu.memory_space<vmem>>
      %dma_wait3A_156 = tpu.memref_squeeze %dma_wait3A_155 : memref<1x128x128xf32, #tpu.memory_space<vmem>> -> memref<128x128xf32, #tpu.memory_space<vmem>>
      %dma_wait3A_157 = arith.constant 0 : i32
      %dma_wait3A_158 = tpu.memref_slice %arg4[%add3A_138, %dma_wait3A_157] : memref<819200x128xf32, #tpu.memory_space<hbm>> -> memref<128x128xf32, #tpu.memory_space<hbm>>
      %dma_wait3A_159 = arith.constant 0 : i32
      %dma_wait3A_160 = tpu.memref_slice %arg4[%add3A_138, %dma_wait3A_159] : memref<819200x128xf32, #tpu.memory_space<hbm>> -> memref<128x128xf32, #tpu.memory_space<hbm>>
      %dma_wait3A_161 = arith.constant 0 : i32
      %dma_wait3A_162 = arith.constant 0 : i32
      %dma_wait3A_163 = tpu.memref_slice %arg6[%run_scoped3A_139, %dma_wait3A_161, %dma_wait3A_162] : memref<5x128x128xf32, #tpu.memory_space<vmem>> -> memref<1x128x128xf32, #tpu.memory_space<vmem>>
      %dma_wait3A_164 = tpu.memref_squeeze %dma_wait3A_163 : memref<1x128x128xf32, #tpu.memory_space<vmem>> -> memref<128x128xf32, #tpu.memory_space<vmem>>
      tpu.wait_dma2 semaphore(%run_scoped3A_140 : memref<!tpu.dma_semaphore, #tpu.memory_space<semaphore_mem>>) src(%dma_wait3A_164 : memref<128x128xf32, #tpu.memory_space<vmem>>) dst(%dma_wait3A_160 : memref<128x128xf32, #tpu.memory_space<hbm>>)
      tpu.yield
    }) : () -> ()
    return
  }
}

</mosaic_0001>

<sc_bundles>
// kernel: kernel.3.cloned.1.call-start
scs
__scs_entry_jumppad:
0x0: {  	(pc) =	sbr.rel $0x88, $3  }
0x1: {  	(tag) =	ssettag $0x0;
	lr =	simm.s32 $0x1  }
0x2: {  	[smem:$0x3F9F] =	sst lr;
	_ =	strace $0xD0000000  }
0x3: {  	_ = 	snop  }
0x4: {  	_ = 	snop  }
0x5: {  	_ = 	snop  }
0x6: {  	_ = 	snop  }
0x7: {  	_ = 	snop  }
__scs_overlays_trampoline_lowered:
0x8: {  	[smem:$0x3FAE] =	sst s0  }
0x9: {  	[smem:$0x3FAF] =	sst s1  }
0xa: {  	[smem:$0x3FB0] =	sst s2  }
0xb: {  	[smem:$0x3FB1] =	sst s3  }
0xc: {  	[smem:$0x3FB2] =	sst s4  }
0xd: {  	[smem:$0x3FB3] =	sst s5  }
0xe: {  	[smem:$0x3FB4] =	sst s6  }
0xf: {  	[smem:$0x3FB5] =	sst s7  }
0x10: {  	[smem:$0x3FB6] =	sst s8  }
0x11: {  	[smem:$0x3FB7] =	sst s9;
	s0 =	simm.s32 @!p0 $0x0  }
0x12: {  	s1 =	sld [smem:$0x3F9D];
	s0 =	simm.s32 @p0 $0x1  }
0x13: {  	[smem:$0x3FB8] =	sst s0;
	s0 =	simm.s32 @!p1 $0x0  }
0x14: {  	s2 =	sld [smem:$0x3F9C];
	s0 =	simm.s32 @p1 $0x1  }
0x15: {  	[smem:$0x3FB9] =	sst s0;
	s0 =	simm.s32 @!p2 $0x0  }
0x16: {  	s3 =	sld [smem:$0x3FDB];
	s0 =	simm.s32 @p2 $0x1  }
0x17: {  	s4 =	simm.s32 $0x1BF5;
	[smem:$0x3FBB] =	sst s0  }
0x18: {  	s0 =	sld [smem:$0x3F9E];
	_ =	swait.ge [sflag:s4], $0x0  }
0x19: {  	s7 =	sld [smem:$0x3F9F]  }
0x1a: {  	s8 =	sadd.s32 $0xFFFFE003, lr  }
0x1b: {  	s9 =	sadd.s32 $0xFFFFFEF7, lr;
	s5 =	simm.s32 $0xFFFFFFFF;
	p2 =	slt.u32 s8, $0xFFFFF086  }
0x1c: {  	p1 =	slt.u32 s9, $0xF7A;
	s5 =	simm.s32 @!p2 $0x0  }
0x1d: {  	s5 =	simm.s32 @p1 $0x1;
	p0 =	seq.s32 s7, s2  }
0x1e: {  	s7 =	smul.u32 @!p0 $0xF7A, s2;
	p2 =	seq.s32 @!p0 s5, $0x0  }
0x1f: {  	s9 =	smul.u32 $0xF7A, s1;
	s8 =	simm.s32 @!p0 $0x1BF5;
	p2 =	por !p2, p0  }
0x20: {  	[sflag:s8] =	ssyncset.s32 @!p0 $0xFFFFF086;
	s6 =	sadd.s32 @!p0 s3, s7;
	s7 =	simm.s32 @!p0 $0x108  }
0x21: {  	s3 =	sadd.s32 s3, s9;
	s6 =	sadd.s32 @!p0 $0x88, s6;
	s7 =	simm.s32 @p2 $0x1082  }
0x22: {  	[simem:s7], [sflag:s8] =	dma.local @!p0 [hbm:s6], $0xF7A  }
0x23: {  	s9 =	sor.u32 $0xD0000000, s2;
	s6 =	simm.s32 $0x108;
	_ =	swait.ge @!p0 [sflag:s8], $0x0  }
0x24: {  	s3 =	sadd.s32 $0x88, s3;
	s6 =	simm.s32 @!p1 $0x1082;
	[sflag:s4] =	ssyncset.s32 $0xFFFFF086  }
0x25: {  	[simem:s6], [sflag:s4] =	dma.local [hbm:s3], $0xF7A  }
0x26: {  	[smem:$0x3F9F] =	sst s1;
	(tag) =	ssettag s2;
	_ =	strace s9  }
0x27: {  	s1 =	sld [smem:$0x3FAF]  }
0x28: {  	s2 =	sld [smem:$0x3FB0]  }
0x29: {  	s4 =	sld [smem:$0x3FB2]  }
0x2a: {  	p0 =	seq.s32 s5, $0x0;
	s5 =	sld [smem:$0x3FB3]  }
0x2b: {  	s6 =	sld [smem:$0x3FB4]  }
0x2c: {  	s7 =	sld [smem:$0x3FB5]  }
0x2d: {  	s3 =	simm.s32 $0x108;
	s8 =	sld [smem:$0x3FB6]  }
0x2e: {  	s3 =	simm.s32 @!p0 $0x1082;
	s9 =	sld [smem:$0x3FB7]  }
0x2f: {  	lr =	sadd.s32 s0, s3;
	s0 =	sld [smem:$0x3FAE]  }
0x30: {  	s3 =	sld [smem:$0x3FB1]  }
0x31: {  	[smem:$0x3FBA] =	sst s10  }
0x32: {  	s10 =	sld [smem:$0x3FB8];
	_ =	sdelay $0x3  }
0x33: {  	p0 =	seq.s32 s10, $0x1;
	s10 =	sld [smem:$0x3FBA];
	_ =	sdelay $0x3  }
0x34: {  	[smem:$0x3FBA] =	sst s10  }
0x35: {  	s10 =	sld [smem:$0x3FB9];
	_ =	sdelay $0x3  }
0x36: {  	p1 =	seq.s32 s10, $0x1;
	s10 =	sld [smem:$0x3FBA];
	_ =	sdelay $0x3  }
0x37: {  	[smem:$0x3FBA] =	sst s10  }
0x38: {  	s10 =	sld [smem:$0x3FBB]  }
0x39: {  	_ = 	snop;
	(pc) =	sbr.ind lr, $3  }
0x3a: {  	_ = 	snop  }
0x3b: {  	_ = 	snop  }
0x3c: {  	p2 =	seq.s32 s10, $0x1;
	s10 =	sld [smem:$0x3FBA]  }
0x3d: {  	_ =	shalt  }
0x3e: {  	_ =	shalt  }
0x3f: {  	_ =	shalt  }
0x40: {  	_ =	shalt  }
0x41: {  	_ =	shalt  }
0x42: {  	_ =	shalt  }
0x43: {  	_ =	shalt  }
0x44: {  	_ =	shalt  }
0x45: {  	_ =	shalt  }
0x46: {  	_ =	shalt  }
0x47: {  	_ =	shalt  }
0x48: {  	_ =	shalt  }
0x49: {  	_ =	shalt  }
0x4a: {  	_ =	shalt  }
0x4b: {  	_ =	shalt  }
0x4c: {  	_ =	shalt  }
0x4d: {  	_ =	shalt  }
0x4e: {  	_ =	shalt  }
0x4f: {  	_ =	shalt  }
0x50: {  	_ =	shalt  }
0x51: {  	_ =	shalt  }
0x52: {  	_ =	shalt  }
0x53: {  	_ =	shalt  }
0x54: {  	_ =	shalt  }
0x55: {  	_ =	shalt  }
0x56: {  	_ =	shalt  }
0x57: {  	_ =	shalt  }
0x58: {  	_ =	shalt  }
0x59: {  	_ =	shalt  }
0x5a: {  	_ =	shalt  }
0x5b: {  	_ =	shalt  }
0x5c: {  	_ =	shalt  }
0x5d: {  	_ =	shalt  }
0x5e: {  	_ =	shalt  }
0x5f: {  	_ =	shalt  }
0x60: {  	_ =	shalt  }
0x61: {  	_ =	shalt  }
0x62: {  	_ =	shalt  }
0x63: {  	_ =	shalt  }
0x64: {  	_ =	shalt  }
0x65: {  	_ =	shalt  }
0x66: {  	_ =	shalt  }
0x67: {  	_ =	shalt  }
0x68: {  	_ =	shalt  }
0x69: {  	_ =	shalt  }
0x6a: {  	_ =	shalt  }
0x6b: {  	_ =	shalt  }
0x6c: {  	_ =	shalt  }
0x6d: {  	_ =	shalt  }
0x6e: {  	_ =	shalt  }
0x6f: {  	_ =	shalt  }
0x70: {  	_ =	shalt  }
0x71: {  	_ =	shalt  }
0x72: {  	_ =	shalt  }
0x73: {  	_ =	shalt  }
0x74: {  	_ =	shalt  }
0x75: {  	_ =	shalt  }
0x76: {  	_ =	shalt  }
0x77: {  	_ =	shalt  }
0x78: {  	_ =	shalt  }
0x79: {  	_ =	shalt  }
0x7a: {  	_ =	shalt  }
0x7b: {  	_ =	shalt  }
0x7c: {  	_ =	shalt  }
0x7d: {  	_ =	shalt  }
0x7e: {  	_ =	shalt  }
0x7f: {  	_ =	shalt  }
0x80: {  	_ =	shalt  }
0x81: {  	_ =	shalt  }
0x82: {  	_ =	shalt  }
0x83: {  	_ =	shalt  }
0x84: {  	_ =	shalt  }
0x85: {  	_ =	shalt  }
0x86: {  	_ =	shalt  }
0x87: {  	_ =	shalt  }
.Lfunc_end0:
.L_simem_size_0:
called_computation_lowered:
.L_overlay_start_0:
0x88: {  	s2 =	sld [smem:$0x3FD9]  }
0x89: {  	s3 =	sld [smem:$0x3FFE];
	_ =	sdelay $0x1  }
0x8a: {  	s1 =	srdreg.scid  }
0x8b: {  	s0 =	sand.u32 $0x1, s1  }
0x8c: {  	s17 =	sshll.u32 s0, $0xA;
	s2 =	sadd.s32 s3, s2  }
0x8d: {  	s2 =	sadd.s32 s2, s17  }
0x8e: {  	[smem:$0x3FC6] =	sst s2  }
0x8f: {  	_ = 	snop  }
0x90: {  	s2 =	sld [smem:$0x3FC8]  }
0x91: {  	s18 =	sld [smem:$0x3FD0];
	(tm) =	ssettm $0x1  }
0x92: {  	s4 =	sld [smem:$0x3FFB];
	_ =	sdelay $0x3  }
0x93: {  	_ =	strace s4  }
0x94: {  	s4 =	sld [smem:$0x3FFC];
	_ =	sdelay $0x3  }
0x95: {  	_ =	strace s4  }
0x96: {  	s4 =	sld [smem:$0x3FFD];
	_ =	sdelay $0x3  }
0x97: {  	_ =	strace s4  }
0x98: {  	_ =	strace $0x8FFFFFFF  }
0x99: {  	s19 =	sld [smem:$0x3FDB];
	_ =	sdelay $0x1  }
0x9a: {  	s5 =	simm.s32 $_scs_section_size  }
0x9b: {  	s6 =	simm.s32 $_size__tile_overlayer_lowered;
	s7 =	simm.s32 $_tile_overlayer_lowered  }
0x9c: {  	s22 =	simm.s32 $0x1BFF;
	s21 =	sshll.u32 s7, $0x1;
	s4 =	sadd.s32 s5, s19  }
0x9d: {  	s8 =	simm.s32 $0x0;
	s20 =	sshll.u32 s6, $0x1;
	s6 =	sadd.s32 s21, s4  }
0x9e: {  	[timem:s8], [sflag:s22] =	dma.local [hbm:s6], s20  }
0x9f: {  	_ =	swait.ge [sflag:s22], s20  }
0xa0: {  	s5 =	ssub.s32 $0x0, s20;
	[sflag:s22] =	ssyncset.done $0x0  }
0xa1: {  	[sflag:s22] =	ssyncadd.s32 s5;
	_ =	sdelay $0x1  }
0xa2: {  	s23 =	simm.s32 $0x1B8B  }
0xa3: {  	_ =	swait.ge [sflag:s23], $0x1  }
0xa4: {  	[sflag:s23] =	ssyncset.done $0x0  }
0xa5: {  	s25 =	simm.s32 $0x1B8E;
	s24 =	sld [smem:$0x3FFE];
	[sflag:s23] =	ssyncadd.s32 $0xFFFFFFFF  }
0xa6: {  	s26 =	simm.s32 $execute0_lowered;
	[smem:$0x3FD2] =	sst s25  }
0xa7: {  	s6 =	sshll.u32 s26, $0x1;
	_ =	strace $0x80000046;
	[dreg:$0x1] =	wrdreg $0xFFFFFFFF  }
0xa8: {  	s28 =	simm.s32 $_size_execute0_lowered;
	s4 =	sadd.s32 s4, s6;
	[dreg:$0x0] =	wrdreg $0x0  }
0xa9: {  	s6 =	sshll.u32 s28, $0x1;
	[dreg:$0x2] =	wrdreg s4  }
0xaa: {  	[dreg:$0x3] =	wrdreg s6  }
0xab: {  	[dreg:$0x4] =	wrdreg $0xC0  }
0xac: {  	_ =	task [dreg:s8], $0x5FFFF  }
0xad: {  	[dreg:$0x1] =	wrdreg $0xFFFFFFFF  }
0xae: {  	[dreg:$0x0] =	wrdreg $0x60  }
0xaf: {  	[dreg:$0x2] =	wrdreg s24  }
0xb0: {  	[dreg:$0x3] =	wrdreg s2  }
0xb1: {  	[dreg:$0x4] =	wrdreg s18  }
0xb2: {  	[dreg:$0x5] =	wrdreg $0x9  }
0xb3: {  	_ =	task.clear_ibuf [dreg:s8], $0x6FFFF;
	_ =	strace $0x90000046  }
0xb4: {  	s29 =	simm.s32 $0x9;
	_ =	strace $0x80000048  }
0xb5: {  	_ =	swait.ge [sflag:s29], $0x1  }
0xb6: {  	[sflag:s29] =	ssyncadd.s32 $0xFFFFFFFF  }
0xb7: {  	_ =	strace $0x90000048  }
0xb8: {  	_ =	sfence  }
0xb9: {  	s30 =	sld [smem:$0x0];
	_ =	sdelay $0x2  }
0xba: {  	s31 =	sshll.u32 s1, $0xD;
	s1 =	sshrl.u32 s1, $0x2  }
0xbb: {  	s3 =	sand.u32 $0x4000, s31;
	s1 =	sadd.s32 s1, s30  }
0xbc: {  	s0 =	sor.u32 s3, s0;
	s1 =	sshll.u32 s1, $0x11  }
0xbd: {  	s0 =	sor.u32 s1, s0  }
0xbe: {  	s0 =	sadd.s32 $0x8F2B, s0  }
0xbf: {  	[sflag:s0] =	ssyncadd.remote.s32 $0x1  }
0xc0: {  	_ =	sfence.sel $0xFFFF  }
0xc1: {  	[dreg:$0x0] =	wrdreg $0xFFFFFFFF;
	(pc) =	sbr.abs _section_cstart, $3  }
0xc2: {  	[dreg:$0x1] =	wrdreg $0xFFFFFFFF  }
0xc3: {  	_ =	task.clear_ibuf [dreg:s8], $0x2FFFF;
	_ =	strace $0x9FFFFFFF  }
0xc4: {  	(tm) =	ssettm $0x7FFFFFFF  }
0xc5: {  	_ =	shalt  }
tec
execute0_lowered:
.L_overlay_start_1:
0x0: {  	(tag) =	ssettag $0x1  }
0x1: {  	s4 =	rddreg [dreg:$0x0]  }
0x2: {  	s1 =	srdreg.scid;
	s2 =	rddreg [dreg:$0x1]  }
0x3: {  	s0 =	stileid.u32;
	s8 =	rddreg [dreg:$0x2];
	s3 =	simm.s32 $0x0  }
0x4: {  	s13 =	simm.s32 $0x80;
	s14 =	simm.s32 $0x6400;
	s15 =	simm.s32 $0xA400  }
0x5: {  	s16 =	simm.s32 $0x100;
	s17 =	simm.s32 $0xE400;
	s18 =	simm.s32 $0x180  }
0x6: {  	s19 =	simm.s32 $0x12400;
	s20 =	simm.s32 $0x200;
	s21 =	simm.s32 $0x16400  }
0x7: {  	s22 =	simm.s32 $0x1;
	s23 =	simm.s32 $0x2;
	s24 =	simm.s32 $0x3  }
0x8: {  	s25 =	simm.s32 $0x4;
	s26 =	simm.s32 $0x5;
	s28 =	simm.s32 $0x0  }
0x9: {  	s6 =	sand.u32 $0x1, s1;
	s29 =	sshll.u32 s0, $0x1;
	s11 =	smul.u32 $0xC8000, s0  }
0xa: {  	[smem:$0x7FF] =	sst s3;
	s5 =	sor.u32 s6, s29;
	s12 =	smul.u32 $0x64000, s6  }
0xb: {  	_ =	strace $0x80000047;
	s9 =	ssub.s32 $0x2, s6;
	s7 =	smul.u32 $0x6400, s5  }
0xc: {  	s5 =	smul.u32 $0x320000, s5;
	s30 =	sshrl.u32 s9, $0x1;
	s11 =	sadd.s32 s11, s8  }
0xd: {  	s10 =	ssub.s32 s9, s30;
	s11 =	sadd.s32 s12, s11;
	s12 =	simm.s32 $0x6  }
0xe: {  	s7 =	sshrl.u32 s7, $0x3;
	s5 =	sshrl.u32 s5, $0x3;
	s10 =	smax.u32 s10, $0x1  }
0xf: {  	s11 =	sadd.s32 $0x2000, s11;
	s4 =	sadd.s32 s7, s4;
	s31 =	sadd.s32 s8, s5  }
0x10: {  	s4 =	sadd.s32 $0x400, s4;
	s5 =	sadd.s32 $0x61800, s31;
	s6 =	sadd.s32 $0x62000, s31  }
0x11: {  	s7 =	sadd.s32 $0x62800, s31;
	s8 =	sadd.s32 $0x63000, s31;
	s9 =	sadd.s32 $0x63800, s31  }
.LBB2_1:
0x12: {  	[tilespmem:s3], [sflag:$0x6] =	stream.linear.gather [hbm4b:s4+s3], $0x6400, $0x38;
	[tilespmem:$0x1A400] =	vst v63  }
0x13: {  	_ =	swait.ge [sflag:s12], $0x6400  }
0x14: {  	[sflag:s12] =	ssyncset.done $0x0  }
0x15: {  	[sflag:s12] =	ssyncadd.s32 $0xFFFF9C00  }
0x16: {  	[tilespmem:s14], [sflag:$0x1] =	stream.indirect.gather [hbm4b:s2+s13], $0x80, s3, s13, $0xb8;
	[tilespmem:$0x1A400] =	vst v63  }
0x17: {  	_ = 	snop  }
0x18: {  	[tilespmem:s15], [sflag:$0x2] =	stream.indirect.gather [hbm4b:s2+s13], $0x80, s13, s13, $0xb8;
	[tilespmem:$0x1A400] =	vst v63  }
0x19: {  	_ = 	snop  }
0x1a: {  	[tilespmem:s17], [sflag:$0x3] =	stream.indirect.gather [hbm4b:s2+s13], $0x80, s16, s13, $0xb8;
	[tilespmem:$0x1A400] =	vst v63  }
0x1b: {  	_ = 	snop  }
0x1c: {  	[tilespmem:s19], [sflag:$0x4] =	stream.indirect.gather [hbm4b:s2+s13], $0x80, s18, s13, $0xb8;
	[tilespmem:$0x1A400] =	vst v63  }
0x1d: {  	_ = 	snop  }
0x1e: {  	[tilespmem:s21], [sflag:$0x5] =	stream.indirect.gather [hbm4b:s2+s13], $0x80, s20, s13, $0xb8;
	[tilespmem:$0x1A400] =	vst v63  }
0x1f: {  	_ =	swait.ge [sflag:s22], $0x4000  }
0x20: {  	[sflag:s22] =	ssyncset.done $0x0  }
0x21: {  	s29 =	sadd.s32 $0xFFFFE000, s11;
	[sflag:s22] =	ssyncadd.s32 $0xFFFFC000  }
0x22: {  	[hbm4b:s29+s3] =	stream.linear.scatter [tilespmem:s14], [sflag:$0x6], $0x4000, $0x38;
	[tilespmem:$0x1A400] =	vst v63  }
0x23: {  	_ =	swait.ge [sflag:s12], $0x4000  }
0x24: {  	[sflag:s12] =	ssyncset.done $0x0  }
0x25: {  	s29 =	simm.s32 $0x280;
	[sflag:s12] =	ssyncadd.s32 $0xFFFFC000  }
0x26: {  	[tilespmem:s14], [sflag:$0x1] =	stream.indirect.gather [hbm4b:s2+s13], $0x80, s29, s13, $0xb8;
	[tilespmem:$0x1A400] =	vst v63  }
0x27: {  	_ =	swait.ge [sflag:s23], $0x4000  }
0x28: {  	[sflag:s23] =	ssyncset.done $0x0  }
0x29: {  	s29 =	sadd.s32 $0xFFFFE800, s11;
	[sflag:s23] =	ssyncadd.s32 $0xFFFFC000  }
0x2a: {  	[hbm4b:s29+s3] =	stream.linear.scatter [tilespmem:s15], [sflag:$0x6], $0x4000, $0x38;
	[tilespmem:$0x1A400] =	vst v63  }
0x2b: {  	_ =	swait.ge [sflag:s12], $0x4000  }
0x2c: {  	[sflag:s12] =	ssyncset.done $0x0  }
0x2d: {  	s29 =	simm.s32 $0x300;
	[sflag:s12] =	ssyncadd.s32 $0xFFFFC000  }
0x2e: {  	[tilespmem:s15], [sflag:$0x2] =	stream.indirect.gather [hbm4b:s2+s13], $0x80, s29, s13, $0xb8;
	[tilespmem:$0x1A400] =	vst v63  }
0x2f: {  	_ =	swait.ge [sflag:s24], $0x4000  }
0x30: {  	[sflag:s24] =	ssyncset.done $0x0  }
0x31: {  	s29 =	sadd.s32 $0xFFFFF000, s11;
	[sflag:s24] =	ssyncadd.s32 $0xFFFFC000  }
0x32: {  	[hbm4b:s29+s3] =	stream.linear.scatter [tilespmem:s17], [sflag:$0x6], $0x4000, $0x38;
	[tilespmem:$0x1A400] =	vst v63  }
0x33: {  	_ =	swait.ge [sflag:s12], $0x4000  }
0x34: {  	[sflag:s12] =	ssyncset.done $0x0  }
0x35: {  	s29 =	simm.s32 $0x380;
	[sflag:s12] =	ssyncadd.s32 $0xFFFFC000  }
0x36: {  	[tilespmem:s17], [sflag:$0x3] =	stream.indirect.gather [hbm4b:s2+s13], $0x80, s29, s13, $0xb8;
	[tilespmem:$0x1A400] =	vst v63  }
0x37: {  	_ =	swait.ge [sflag:s25], $0x4000  }
0x38: {  	[sflag:s25] =	ssyncset.done $0x0  }
0x39: {  	s29 =	sadd.s32 $0xFFFFF800, s11;
	[sflag:s25] =	ssyncadd.s32 $0xFFFFC000  }
0x3a: {  	[hbm4b:s29+s3] =	stream.linear.scatter [tilespmem:s19], [sflag:$0x6], $0x4000, $0x38;
	[tilespmem:$0x1A400] =	vst v63  }
0x3b: {  	_ =	swait.ge [sflag:s12], $0x4000  }
0x3c: {  	[sflag:s12] =	ssyncset.done $0x0  }
0x3d: {  	s29 =	simm.s32 $0x400;
	[sflag:s12] =	ssyncadd.s32 $0xFFFFC000  }
0x3e: {  	[tilespmem:s19], [sflag:$0x4] =	stream.indirect.gather [hbm4b:s2+s13], $0x80, s29, s13, $0xb8;
	[tilespmem:$0x1A400] =	vst v63  }
0x3f: {  	_ =	swait.ge [sflag:s26], $0x4000  }
0x40: {  	[sflag:s26] =	ssyncset.done $0x0  }
0x41: {  	[sflag:s26] =	ssyncadd.s32 $0xFFFFC000  }
0x42: {  	[hbm4b:s11+s3] =	stream.linear.scatter [tilespmem:s21], [sflag:$0x6], $0x4000, $0x38;
	[tilespmem:$0x1A400] =	vst v63  }
0x43: {  	_ =	swait.ge [sflag:s12], $0x4000  }
0x44: {  	s31 =	simm.s32 $0x480;
	[sflag:s12] =	ssyncset.done $0x0  }
0x45: {  	s30 =	sadd.s32 $0x2800, s11;
	s29 =	simm.s32 $0xA00;
	[sflag:s12] =	ssyncadd.s32 $0xFFFFC000  }
.LBB2_2:
0x46: {  	[tilespmem:s21], [sflag:$0x5] =	stream.indirect.gather [hbm4b:s2+s13], $0x80, s31, s13, $0xb8;
	[tilespmem:$0x1A400] =	vst v63  }
0x47: {  	s31 =	smov.u32 s29  }
0x48: {  	p0 =	sne.s32 s29, $0x17C00;
	s29 =	sadd.s32 $0xA00, s29;
	_ =	swait.ge [sflag:s22], $0x4000  }
0x49: {  	[sflag:s22] =	ssyncset.done $0x0  }
0x4a: {  	s1 =	sadd.s32 $0xFFFFE000, s30;
	[sflag:s22] =	ssyncadd.s32 $0xFFFFC000  }
0x4b: {  	[hbm4b:s1+s3] =	stream.linear.scatter [tilespmem:s14], [sflag:$0x6], $0x4000, $0x38;
	[tilespmem:$0x1A400] =	vst v63  }
0x4c: {  	_ =	swait.ge [sflag:s12], $0x4000  }
0x4d: {  	s31 =	sshra.s32 s31, $0x2;
	[sflag:s12] =	ssyncset.done $0x0  }
0x4e: {  	s1 =	sadd.s32 $0x280, s31;
	[sflag:s12] =	ssyncadd.s32 $0xFFFFC000  }
0x4f: {  	[tilespmem:s14], [sflag:$0x1] =	stream.indirect.gather [hbm4b:s2+s13], $0x80, s1, s13, $0xb8;
	[tilespmem:$0x1A400] =	vst v63  }
0x50: {  	_ =	swait.ge [sflag:s23], $0x4000  }
0x51: {  	[sflag:s23] =	ssyncset.done $0x0  }
0x52: {  	s1 =	sadd.s32 $0xFFFFE800, s30;
	[sflag:s23] =	ssyncadd.s32 $0xFFFFC000  }
0x53: {  	[hbm4b:s1+s3] =	stream.linear.scatter [tilespmem:s15], [sflag:$0x6], $0x4000, $0x38;
	[tilespmem:$0x1A400] =	vst v63  }
0x54: {  	_ =	swait.ge [sflag:s12], $0x4000  }
0x55: {  	[sflag:s12] =	ssyncset.done $0x0  }
0x56: {  	s1 =	sadd.s32 $0x300, s31;
	[sflag:s12] =	ssyncadd.s32 $0xFFFFC000  }
0x57: {  	[tilespmem:s15], [sflag:$0x2] =	stream.indirect.gather [hbm4b:s2+s13], $0x80, s1, s13, $0xb8;
	[tilespmem:$0x1A400] =	vst v63  }
0x58: {  	_ =	swait.ge [sflag:s24], $0x4000  }
0x59: {  	[sflag:s24] =	ssyncset.done $0x0  }
0x5a: {  	s1 =	sadd.s32 $0xFFFFF000, s30;
	[sflag:s24] =	ssyncadd.s32 $0xFFFFC000  }
0x5b: {  	[hbm4b:s1+s3] =	stream.linear.scatter [tilespmem:s17], [sflag:$0x6], $0x4000, $0x38;
	[tilespmem:$0x1A400] =	vst v63  }
0x5c: {  	_ =	swait.ge [sflag:s12], $0x4000  }
0x5d: {  	[sflag:s12] =	ssyncset.done $0x0  }
0x5e: {  	s1 =	sadd.s32 $0x380, s31;
	[sflag:s12] =	ssyncadd.s32 $0xFFFFC000  }
0x5f: {  	[tilespmem:s17], [sflag:$0x3] =	stream.indirect.gather [hbm4b:s2+s13], $0x80, s1, s13, $0xb8;
	[tilespmem:$0x1A400] =	vst v63  }
0x60: {  	_ =	swait.ge [sflag:s25], $0x4000  }
0x61: {  	[sflag:s25] =	ssyncset.done $0x0  }
0x62: {  	s1 =	sadd.s32 $0xFFFFF800, s30;
	[sflag:s25] =	ssyncadd.s32 $0xFFFFC000  }
0x63: {  	[hbm4b:s1+s3] =	stream.linear.scatter [tilespmem:s19], [sflag:$0x6], $0x4000, $0x38;
	[tilespmem:$0x1A400] =	vst v63  }
0x64: {  	_ =	swait.ge [sflag:s12], $0x4000  }
0x65: {  	[sflag:s12] =	ssyncset.done $0x0  }
0x66: {  	s1 =	sadd.s32 $0x400, s31;
	[sflag:s12] =	ssyncadd.s32 $0xFFFFC000  }
0x67: {  	[tilespmem:s19], [sflag:$0x4] =	stream.indirect.gather [hbm4b:s2+s13], $0x80, s1, s13, $0xb8;
	[tilespmem:$0x1A400] =	vst v63  }
0x68: {  	_ =	swait.ge [sflag:s26], $0x4000  }
0x69: {  	[sflag:s26] =	ssyncset.done $0x0  }
.Ltmp0:
0x6a: {  	[sflag:s26] =	ssyncadd.s32 $0xFFFFC000;
	(pc) =	sbr.rel @p0 .LBB2_2-.Ltmp0, $4  }
0x6b: {  	[hbm4b:s30+s3] =	stream.linear.scatter [tilespmem:s21], [sflag:$0x6], $0x4000, $0x38;
	[tilespmem:$0x1A400] =	vst v63  }
0x6c: {  	_ =	swait.ge [sflag:s12], $0x4000  }
0x6d: {  	[sflag:s12] =	ssyncset.done $0x0  }
0x6e: {  	s31 =	sadd.s32 $0x480, s31;
	s30 =	sadd.s32 $0x2800, s30;
	[sflag:s12] =	ssyncadd.s32 $0xFFFFC000  }
0x6f: {  	[tilespmem:s21], [sflag:$0x5] =	stream.indirect.gather [hbm4b:s2+s13], $0x80, s31, s13, $0xb8;
	[tilespmem:$0x1A400] =	vst v63  }
0x70: {  	_ =	swait.ge [sflag:s22], $0x4000  }
0x71: {  	[sflag:s22] =	ssyncset.done $0x0  }
0x72: {  	[sflag:s22] =	ssyncadd.s32 $0xFFFFC000  }
0x73: {  	[hbm4b:s5+s3] =	stream.linear.scatter [tilespmem:s14], [sflag:$0x6], $0x4000, $0x38;
	[tilespmem:$0x1A400] =	vst v63  }
0x74: {  	_ =	swait.ge [sflag:s12], $0x4000  }
0x75: {  	[sflag:s12] =	ssyncset.done $0x0  }
0x76: {  	[sflag:s12] =	ssyncadd.s32 $0xFFFFC000  }
0x77: {  	_ =	swait.ge [sflag:s23], $0x4000  }
0x78: {  	[sflag:s23] =	ssyncset.done $0x0  }
0x79: {  	[sflag:s23] =	ssyncadd.s32 $0xFFFFC000  }
0x7a: {  	[hbm4b:s6+s3] =	stream.linear.scatter [tilespmem:s15], [sflag:$0x6], $0x4000, $0x38;
	[tilespmem:$0x1A400] =	vst v63  }
0x7b: {  	_ =	swait.ge [sflag:s12], $0x4000  }
0x7c: {  	[sflag:s12] =	ssyncset.done $0x0  }
0x7d: {  	[sflag:s12] =	ssyncadd.s32 $0xFFFFC000  }
0x7e: {  	_ =	swait.ge [sflag:s24], $0x4000  }
0x7f: {  	[sflag:s24] =	ssyncset.done $0x0  }
0x80: {  	[sflag:s24] =	ssyncadd.s32 $0xFFFFC000  }
0x81: {  	[hbm4b:s7+s3] =	stream.linear.scatter [tilespmem:s17], [sflag:$0x6], $0x4000, $0x38;
	[tilespmem:$0x1A400] =	vst v63  }
0x82: {  	_ =	swait.ge [sflag:s12], $0x4000  }
0x83: {  	[sflag:s12] =	ssyncset.done $0x0  }
0x84: {  	[sflag:s12] =	ssyncadd.s32 $0xFFFFC000  }
0x85: {  	_ =	swait.ge [sflag:s25], $0x4000  }
0x86: {  	[sflag:s25] =	ssyncset.done $0x0  }
0x87: {  	[sflag:s25] =	ssyncadd.s32 $0xFFFFC000  }
0x88: {  	[hbm4b:s8+s3] =	stream.linear.scatter [tilespmem:s19], [sflag:$0x6], $0x4000, $0x38;
	[tilespmem:$0x1A400] =	vst v63  }
0x89: {  	_ =	swait.ge [sflag:s12], $0x4000  }
0x8a: {  	[sflag:s12] =	ssyncset.done $0x0  }
0x8b: {  	[sflag:s12] =	ssyncadd.s32 $0xFFFFC000  }
0x8c: {  	s28 =	sadd.s32 $0x1, s28;
	_ =	swait.ge [sflag:s26], $0x4000  }
0x8d: {  	p0 =	sne.s32 s28, s10;
	[sflag:s26] =	ssyncset.done $0x0  }
.Ltmp1:
0x8e: {  	[sflag:s26] =	ssyncadd.s32 $0xFFFFC000;
	(pc) =	sbr.rel @p0 .LBB2_1-.Ltmp1, $4  }
0x8f: {  	[hbm4b:s9+s3] =	stream.linear.scatter [tilespmem:s21], [sflag:$0x6], $0x4000, $0x38;
	[tilespmem:$0x1A400] =	vst v63  }
0x90: {  	_ =	swait.ge [sflag:s12], $0x4000  }
0x91: {  	[sflag:s12] =	ssyncset.done $0x0  }
0x92: {  	[sflag:s12] =	ssyncadd.s32 $0xFFFFC000  }
0x93: {  	_ =	sfence.sel $0x180000  }
0x94: {  	[bflag:$0x0] =	sbarrier.arrive $0xFFFF  }
0x95: {  	_ =	strace $0x90000047  }
0x96: {  	[bflag:$0x2] =	sbarrier.arrive $0xFFFF  }
0x97: {  	p0 =	sne.s32 s0, $0x0;
	s0 =	rddreg [dreg:$0x3]  }
0x98: {  	s0 =	sadd.s32 @!p0 $0x100000, s0  }
0x99: {  	[sflag:s0] =	ssyncadd.tile.s32 @!p0 $0x1;
	_ =	shalt  }
.Lfunc_end2:
_tile_overlayer_lowered:
.L_overlay_start_2:
0x9a: {  	(tag) =	ssettag $0x2  }
0x9b: {  	s0 =	rddreg [dreg:$0x0];
	s2 =	stileid.u32  }
0x9c: {  	s1 =	rddreg [dreg:$0x1];
	p0 =	sne.s32 s2, $0x0  }
0x9d: {  	s3 =	rddreg [dreg:$0x2];
	[bflag:$0x3] =	sbarrier.arrive $0xFFFF;
	s2 =	simm.s32 @!p0 $0x1C06  }
0x9e: {  	[timem:s3], [sflag:s2] =	dma.local @!p0 [hbm:s0], s1  }
0x9f: {  	s0 =	simm.s32 @!p0 $0x6  }
0xa0: {  	_ =	swait.ge @!p0 [sflag:s0], s1  }
0xa1: {  	s1 =	ssub.s32 @!p0 $0x0, s1;
	[sflag:s0] =	ssyncset.done @!p0 $0x0  }
0xa2: {  	[sflag:s0] =	ssyncadd.s32 @!p0 s1  }
0xa3: {  	[bflag:$0x3] =	sbarrier.arrive $0xFFFF  }
0xa4: {  	_ =	shalt  }

</sc_bundles>
